<compile_context>
chip_gen: v7x
topology: tpu7x:2x2x1
jax: 0.10.2.dev20260603
libtpu: 0.0.44.dev20260713+nightly
codegen_flags: <defaults>
</compile_context>

<pallas_src>
import functools

import jax
import jax.numpy as jnp
from jax import lax
from jax.experimental import pallas as pl
from jax.experimental.pallas import tpu as pltpu
from jax.experimental.pallas import tpu_sc as plsc

_NC = 2
_NS = 16
_NW = _NC * _NS
_L = 16


def _make_sc_gather(B, V, D, C):
    total_chunks = B // C
    n_full = total_chunks // _NW
    rem = total_chunks % _NW
    mesh = plsc.VectorSubcoreMesh(
        core_axis_name="c", subcore_axis_name="s",
        num_cores=_NC, num_subcores=_NS)

    @functools.partial(
        pl.kernel,
        out_type=jax.ShapeDtypeStruct((D, B), jnp.float32),
        mesh=mesh,
        compiler_params=pltpu.CompilerParams(
            needs_layout_passes=False, use_tc_tiling_on_sc=True),
        scratch_types=[
            pltpu.VMEM((V * D,), jnp.float32),
            pltpu.VMEM((C,), jnp.int32),
            pltpu.VMEM((D, C), jnp.float32),
        ],
    )
    def k(zj_hbm, table_hbm, out_hbm, table_v, idx_v, out_v):
        wid = lax.axis_index("s") * _NC + lax.axis_index("c")
        n_t = n_full + jnp.where(wid < rem, 1, 0)
        pltpu.sync_copy(table_hbm, table_v)

        lane = lax.iota(jnp.int32, _L)

        def chunk_body(t, _):
            off = pl.multiple_of((wid + t * _NW) * C, 128)
            pltpu.sync_copy(zj_hbm.at[pl.ds(off, C)], idx_v)

            def grp(i, _):
                z = idx_v[pl.ds(i * _L, _L)]
                z_d = z * D
                col_idx = lane + i * _L
                for j in range(D):
                    vals = plsc.load_gather(table_v, [z_d + j])
                    plsc.store_scatter(
                        out_v, [jnp.full((_L,), j, jnp.int32), col_idx], vals)
                return 0

            lax.fori_loop(0, C // _L, grp, 0, unroll=8)
            pltpu.sync_copy(out_v, out_hbm.at[:, pl.ds(off, C)])
            return 0

        lax.fori_loop(0, n_t, chunk_body, 0, unroll=False)

    return k


def kernel(Zj, table):
    B, = Zj.shape
    V, D = table.shape
    C = 2560
    k = _make_sc_gather(B, V, D, C)
    out_t = k(Zj, table.reshape(V * D))
    return out_t.T

# --- scband reference (transcript-rebuilt; emitter-appended) ---
"""Pipeline reference for scband-one-hot-elements-24919400251636 (READ-ONLY COPY).

The authoritative reference and input builder live on the scoring server;
editing this copy changes nothing except your own understanding.
"""

import jax, jax.numpy as jnp
import numpy as np

ELEMENTS = [1, 6, 7, 8, 9, 14, 15, 16, 17, 35]
MAX_Z = 100
N = 6400000


def _build_table():
    # Matches OneHotElements._init_basis: zeros(max_z, n_elements) with
    # table[element, idx] = 1.0 for each listed element.
    table = np.zeros((MAX_Z, len(ELEMENTS)), dtype=np.float32)
    for idx, z in enumerate(ELEMENTS):
        table[z, idx] = 1.0
    return jnp.asarray(table)


def setup_inputs(seed: int = 0) -> dict:
    key = jax.random.key(seed)
    Zj = jax.random.randint(key, (N,), 0, MAX_Z, dtype=jnp.int32)
    table = _build_table()
    return {"Zj": Zj, "table": table}


def reference(Zj, table):
    # forward: frozen nn.Embedding lookup -> one-hot (or zero) row per atomic number
    return jnp.take(table, Zj, axis=0)

if __name__ == "__main__":
    import jax
    _d = setup_inputs()
    print(jax.jit(kernel)(*tuple(_d.values())))

</pallas_src>

<mosaic_0001>
#map = affine_map<(d0, d1) -> (0)>
#map1 = affine_map<(d0, d1) -> (0, 0)>
module attributes {stable_mosaic.version = 14 : i64} {
  func.func @k(%arg0: i32, %arg1: i32, %arg2: memref<6400000xi32, #tpu.memory_space<hbm>>, %arg3: memref<1000xf32, #tpu.memory_space<hbm>>, %arg4: memref<10x6400000xf32, #tpu.memory_space<hbm>>, %arg5: memref<1000xf32, #tpu.memory_space<vmem>>, %arg6: memref<2560xi32, #tpu.memory_space<vmem>>, %arg7: memref<10x2560xf32, #tpu.memory_space<vmem>>) attributes {dimension_semantics = [#tpu.dimension_semantics<core_parallel>, #tpu.dimension_semantics<subcore_parallel>], iteration_bounds = array<i64: 2, 16>, scalar_prefetch = 0 : i64, scratch_operands = 3 : i64, tpu.core_type = #tpu.core_type<sc_vector_subcore>, window_params = [{transform_indices = #map}, {transform_indices = #map}, {transform_indices = #map1}]} {
    %mul3A = arith.constant 2 : i32
    %mul3A_0 = arith.muli %arg1, %mul3A : i32
    %add3A = arith.addi %mul3A_0, %arg0 : i32
    %lt3A = arith.constant 4 : i32
    %lt3A_1 = arith.cmpi slt, %add3A, %lt3A : i32
    %jit3A = arith.constant 1 : i32
    %jit3A_2 = arith.constant 0 : i32
    %select_n3A = arith.select %lt3A_1, %jit3A, %jit3A_2 : i32
    %add3A_3 = arith.constant 78 : i32
    %add3A_4 = arith.addi %add3A_3, %select_n3A : i32
    "tpu.region"() ({
      %run_scoped3A = tpu.sem_alloc : memref<!tpu.dma_semaphore, #tpu.memory_space<semaphore_mem>>
      tpu.enqueue_dma source(%arg3 : memref<1000xf32, #tpu.memory_space<hbm>>) target(%arg5 : memref<1000xf32, #tpu.memory_space<vmem>>) target_semaphore(%run_scoped3A : memref<!tpu.dma_semaphore, #tpu.memory_space<semaphore_mem>>)
      tpu.wait_dma2 semaphore(%run_scoped3A : memref<!tpu.dma_semaphore, #tpu.memory_space<semaphore_mem>>) src(%arg3 : memref<1000xf32, #tpu.memory_space<hbm>>) dst(%arg5 : memref<1000xf32, #tpu.memory_space<vmem>>)
      tpu.yield
    }) : () -> ()
    %iota3A = tpu.iota {dimensions = array<i32: 0>} : vector<16xi32>
    %while3A = arith.constant 0 : i32
    %while3A_5 = arith.constant 0 : i32
    %while3A_6 = arith.subi %add3A_4, %while3A : i32
    %while3A_7 = arith.addi %while3A, %while3A_6 : i32
    %while3A_8 = arith.constant 1 : i32
    %while3A_9 = arith.divsi %while3A_6, %while3A_8 : i32
    %while3A_10 = arith.muli %while3A_9, %while3A_8 : i32
    %while3A_11 = arith.addi %while3A, %while3A_10 : i32
    %while3A_12 = arith.constant 1 : i32
    %while3A_13 = scf.for %while3A_16 = %while3A to %while3A_11 step %while3A_12 iter_args(%while3A_17 = %while3A_5) -> (i32)  : i32 {
      %mul3A_18 = arith.constant 32 : i32
      %mul3A_19 = arith.muli %while3A_16, %mul3A_18 : i32
      %add3A_20 = arith.addi %add3A, %mul3A_19 : i32
      %mul3A_21 = arith.constant 2560 : i32
      %mul3A_22 = arith.muli %add3A_20, %mul3A_21 : i32
      %multiple_of3A = tpu.assume_multiple %mul3A_22, 128 : i32
      "tpu.region"() ({
        %run_scoped3A = tpu.sem_alloc : memref<!tpu.dma_semaphore, #tpu.memory_space<semaphore_mem>>
        %dma_start3A = tpu.memref_slice %arg2[%multiple_of3A] : memref<6400000xi32, #tpu.memory_space<hbm>> -> memref<2560xi32, #tpu.memory_space<hbm>>
        %dma_start3A_30 = tpu.memref_slice %arg2[%multiple_of3A] : memref<6400000xi32, #tpu.memory_space<hbm>> -> memref<2560xi32, #tpu.memory_space<hbm>>
        tpu.enqueue_dma source(%dma_start3A_30 : memref<2560xi32, #tpu.memory_space<hbm>>) target(%arg6 : memref<2560xi32, #tpu.memory_space<vmem>>) target_semaphore(%run_scoped3A : memref<!tpu.dma_semaphore, #tpu.memory_space<semaphore_mem>>)
        %dma_wait3A = tpu.memref_slice %arg2[%multiple_of3A] : memref<6400000xi32, #tpu.memory_space<hbm>> -> memref<2560xi32, #tpu.memory_space<hbm>>
        %dma_wait3A_31 = tpu.memref_slice %arg2[%multiple_of3A] : memref<6400000xi32, #tpu.memory_space<hbm>> -> memref<2560xi32, #tpu.memory_space<hbm>>
        tpu.wait_dma2 semaphore(%run_scoped3A : memref<!tpu.dma_semaphore, #tpu.memory_space<semaphore_mem>>) src(%dma_wait3A_31 : memref<2560xi32, #tpu.memory_space<hbm>>) dst(%arg6 : memref<2560xi32, #tpu.memory_space<vmem>>)
        tpu.yield
      }) : () -> ()
      %scan3A = arith.constant 0 : i32
      %scan3A_23 = arith.constant 0 : i32
      %scan3A_24 = arith.constant 160 : i32
      %scan3A_25 = arith.addi %scan3A_23, %scan3A_24 : i32
      %scan3A_26 = arith.constant 8 : i32
      %scan3A_27 = scf.for %scan3A_30 = %scan3A_23 to %scan3A_25 step %scan3A_26 iter_args(%scan3A_31 = %scan3A) -> (i32)  : i32 {
        %mul3A_32 = arith.constant 16 : i32
        %mul3A_33 = arith.muli %scan3A_30, %mul3A_32 : i32
        %get3A = arith.index_cast %mul3A_33 : i32 to index
        %get3A_34 = tpu.vector_load %arg6[%get3A] {strides = array<i32>} : memref<2560xi32, #tpu.memory_space<vmem>>, vector<16xi32>,
        %mul3A_35 = arith.constant 10 : i32
        %mul3A_36 = vector.broadcast %mul3A_35 : i32 to vector<16xi32>
        %mul3A_37 = arith.muli %get3A_34, %mul3A_36 : vector<16xi32>
        %mul3A_38 = arith.constant 16 : i32
        %mul3A_39 = arith.muli %scan3A_30, %mul3A_38 : i32
        %add3A_40 = vector.broadcast %mul3A_39 : i32 to vector<16xi32>
        %add3A_41 = arith.addi %iota3A, %add3A_40 : vector<16xi32>
        %add3A_42 = arith.constant 0 : i32
        %add3A_43 = vector.broadcast %add3A_42 : i32 to vector<16xi32>
        %add3A_44 = arith.addi %mul3A_37, %add3A_43 : vector<16xi32>
        %gather3A = tpu.vector_load_idx %arg5[%add3A_44] : memref<1000xf32, #tpu.memory_space<vmem>>[vector<16xi32>], vector<16xf32>,
        %broadcast_in_dim3A = arith.constant 0 : i32
        %broadcast_in_dim3A_45 = vector.broadcast %broadcast_in_dim3A : i32 to vector<16xi32>
        tpu.vector_store_idx %arg7[%broadcast_in_dim3A_45, %add3A_41], %gather3A : memref<10x2560xf32, #tpu.memory_space<vmem>>[vector<16xi32>, vector<16xi32>], vector<16xf32>,
        %add3A_46 = arith.constant 1 : i32
        %add3A_47 = vector.broadcast %add3A_46 : i32 to vector<16xi32>
        %add3A_48 = arith.addi %mul3A_37, %add3A_47 : vector<16xi32>
        %gather3A_49 = tpu.vector_load_idx %arg5[%add3A_48] : memref<1000xf32, #tpu.memory_space<vmem>>[vector<16xi32>], vector<16xf32>,
        %broadcast_in_dim3A_50 = arith.constant 1 : i32
        %broadcast_in_dim3A_51 = vector.broadcast %broadcast_in_dim3A_50 : i32 to vector<16xi32>
        tpu.vector_store_idx %arg7[%broadcast_in_dim3A_51, %add3A_41], %gather3A_49 : memref<10x2560xf32, #tpu.memory_space<vmem>>[vector<16xi32>, vector<16xi32>], vector<16xf32>,
        %add3A_52 = arith.constant 2 : i32
        %add3A_53 = vector.broadcast %add3A_52 : i32 to vector<16xi32>
        %add3A_54 = arith.addi %mul3A_37, %add3A_53 : vector<16xi32>
        %gather3A_55 = tpu.vector_load_idx %arg5[%add3A_54] : memref<1000xf32, #tpu.memory_space<vmem>>[vector<16xi32>], vector<16xf32>,
        %broadcast_in_dim3A_56 = arith.constant 2 : i32
        %broadcast_in_dim3A_57 = vector.broadcast %broadcast_in_dim3A_56 : i32 to vector<16xi32>
        tpu.vector_store_idx %arg7[%broadcast_in_dim3A_57, %add3A_41], %gather3A_55 : memref<10x2560xf32, #tpu.memory_space<vmem>>[vector<16xi32>, vector<16xi32>], vector<16xf32>,
        %add3A_58 = arith.constant 3 : i32
        %add3A_59 = vector.broadcast %add3A_58 : i32 to vector<16xi32>
        %add3A_60 = arith.addi %mul3A_37, %add3A_59 : vector<16xi32>
        %gather3A_61 = tpu.vector_load_idx %arg5[%add3A_60] : memref<1000xf32, #tpu.memory_space<vmem>>[vector<16xi32>], vector<16xf32>,
        %broadcast_in_dim3A_62 = arith.constant 3 : i32
        %broadcast_in_dim3A_63 = vector.broadcast %broadcast_in_dim3A_62 : i32 to vector<16xi32>
        tpu.vector_store_idx %arg7[%broadcast_in_dim3A_63, %add3A_41], %gather3A_61 : memref<10x2560xf32, #tpu.memory_space<vmem>>[vector<16xi32>, vector<16xi32>], vector<16xf32>,
        %add3A_64 = arith.constant 4 : i32
        %add3A_65 = vector.broadcast %add3A_64 : i32 to vector<16xi32>
        %add3A_66 = arith.addi %mul3A_37, %add3A_65 : vector<16xi32>
        %gather3A_67 = tpu.vector_load_idx %arg5[%add3A_66] : memref<1000xf32, #tpu.memory_space<vmem>>[vector<16xi32>], vector<16xf32>,
        %broadcast_in_dim3A_68 = arith.constant 4 : i32
        %broadcast_in_dim3A_69 = vector.broadcast %broadcast_in_dim3A_68 : i32 to vector<16xi32>
        tpu.vector_store_idx %arg7[%broadcast_in_dim3A_69, %add3A_41], %gather3A_67 : memref<10x2560xf32, #tpu.memory_space<vmem>>[vector<16xi32>, vector<16xi32>], vector<16xf32>,
        %add3A_70 = arith.constant 5 : i32
        %add3A_71 = vector.broadcast %add3A_70 : i32 to vector<16xi32>
        %add3A_72 = arith.addi %mul3A_37, %add3A_71 : vector<16xi32>
        %gather3A_73 = tpu.vector_load_idx %arg5[%add3A_72] : memref<1000xf32, #tpu.memory_space<vmem>>[vector<16xi32>], vector<16xf32>,
        %broadcast_in_dim3A_74 = arith.constant 5 : i32
        %broadcast_in_dim3A_75 = vector.broadcast %broadcast_in_dim3A_74 : i32 to vector<16xi32>
        tpu.vector_store_idx %arg7[%broadcast_in_dim3A_75, %add3A_41], %gather3A_73 : memref<10x2560xf32, #tpu.memory_space<vmem>>[vector<16xi32>, vector<16xi32>], vector<16xf32>,
        %add3A_76 = arith.constant 6 : i32
        %add3A_77 = vector.broadcast %add3A_76 : i32 to vector<16xi32>
        %add3A_78 = arith.addi %mul3A_37, %add3A_77 : vector<16xi32>
        %gather3A_79 = tpu.vector_load_idx %arg5[%add3A_78] : memref<1000xf32, #tpu.memory_space<vmem>>[vector<16xi32>], vector<16xf32>,
        %broadcast_in_dim3A_80 = arith.constant 6 : i32
        %broadcast_in_dim3A_81 = vector.broadcast %broadcast_in_dim3A_80 : i32 to vector<16xi32>
        tpu.vector_store_idx %arg7[%broadcast_in_dim3A_81, %add3A_41], %gather3A_79 : memref<10x2560xf32, #tpu.memory_space<vmem>>[vector<16xi32>, vector<16xi32>], vector<16xf32>,
        %add3A_82 = arith.constant 7 : i32
        %add3A_83 = vector.broadcast %add3A_82 : i32 to vector<16xi32>
        %add3A_84 = arith.addi %mul3A_37, %add3A_83 : vector<16xi32>
        %gather3A_85 = tpu.vector_load_idx %arg5[%add3A_84] : memref<1000xf32, #tpu.memory_space<vmem>>[vector<16xi32>], vector<16xf32>,
        %broadcast_in_dim3A_86 = arith.constant 7 : i32
        %broadcast_in_dim3A_87 = vector.broadcast %broadcast_in_dim3A_86 : i32 to vector<16xi32>
        tpu.vector_store_idx %arg7[%broadcast_in_dim3A_87, %add3A_41], %gather3A_85 : memref<10x2560xf32, #tpu.memory_space<vmem>>[vector<16xi32>, vector<16xi32>], vector<16xf32>,
        %add3A_88 = arith.constant 8 : i32
        %add3A_89 = vector.broadcast %add3A_88 : i32 to vector<16xi32>
        %add3A_90 = arith.addi %mul3A_37, %add3A_89 : vector<16xi32>
        %gather3A_91 = tpu.vector_load_idx %arg5[%add3A_90] : memref<1000xf32, #tpu.memory_space<vmem>>[vector<16xi32>], vector<16xf32>,
        %broadcast_in_dim3A_92 = arith.constant 8 : i32
        %broadcast_in_dim3A_93 = vector.broadcast %broadcast_in_dim3A_92 : i32 to vector<16xi32>
        tpu.vector_store_idx %arg7[%broadcast_in_dim3A_93, %add3A_41], %gather3A_91 : memref<10x2560xf32, #tpu.memory_space<vmem>>[vector<16xi32>, vector<16xi32>], vector<16xf32>,
        %add3A_94 = arith.constant 9 : i32
        %add3A_95 = vector.broadcast %add3A_94 : i32 to vector<16xi32>
        %add3A_96 = arith.addi %mul3A_37, %add3A_95 : vector<16xi32>
        %gather3A_97 = tpu.vector_load_idx %arg5[%add3A_96] : memref<1000xf32, #tpu.memory_space<vmem>>[vector<16xi32>], vector<16xf32>,
        %broadcast_in_dim3A_98 = arith.constant 9 : i32
        %broadcast_in_dim3A_99 = vector.broadcast %broadcast_in_dim3A_98 : i32 to vector<16xi32>
        tpu.vector_store_idx %arg7[%broadcast_in_dim3A_99, %add3A_41], %gather3A_97 : memref<10x2560xf32, #tpu.memory_space<vmem>>[vector<16xi32>, vector<16xi32>], vector<16xf32>,
        %scan3A_100 = arith.constant 0 : i32
        %scan3A_101 = arith.constant 1 : i32
        %scan3A_102 = arith.addi %scan3A_30, %scan3A_101 : i32
        %mul3A_103 = arith.constant 16 : i32
        %mul3A_104 = arith.muli %scan3A_102, %mul3A_103 : i32
        %get3A_105 = arith.index_cast %mul3A_104 : i32 to index
        %get3A_106 = tpu.vector_load %arg6[%get3A_105] {strides = array<i32>} : memref<2560xi32, #tpu.memory_space<vmem>>, vector<16xi32>,
        %mul3A_107 = arith.constant 10 : i32
        %mul3A_108 = vector.broadcast %mul3A_107 : i32 to vector<16xi32>
        %mul3A_109 = arith.muli %get3A_106, %mul3A_108 : vector<16xi32>
        %mul3A_110 = arith.constant 16 : i32
        %mul3A_111 = arith.muli %scan3A_102, %mul3A_110 : i32
        %add3A_112 = vector.broadcast %mul3A_111 : i32 to vector<16xi32>
        %add3A_113 = arith.addi %iota3A, %add3A_112 : vector<16xi32>
        %add3A_114 = arith.constant 0 : i32
        %add3A_115 = vector.broadcast %add3A_114 : i32 to vector<16xi32>
        %add3A_116 = arith.addi %mul3A_109, %add3A_115 : vector<16xi32>
        %gather3A_117 = tpu.vector_load_idx %arg5[%add3A_116] : memref<1000xf32, #tpu.memory_space<vmem>>[vector<16xi32>], vector<16xf32>,
        %broadcast_in_dim3A_118 = arith.constant 0 : i32
        %broadcast_in_dim3A_119 = vector.broadcast %broadcast_in_dim3A_118 : i32 to vector<16xi32>
        tpu.vector_store_idx %arg7[%broadcast_in_dim3A_119, %add3A_113], %gather3A_117 : memref<10x2560xf32, #tpu.memory_space<vmem>>[vector<16xi32>, vector<16xi32>], vector<16xf32>,
        %add3A_120 = arith.constant 1 : i32
        %add3A_121 = vector.broadcast %add3A_120 : i32 to vector<16xi32>
        %add3A_122 = arith.addi %mul3A_109, %add3A_121 : vector<16xi32>
        %gather3A_123 = tpu.vector_load_idx %arg5[%add3A_122] : memref<1000xf32, #tpu.memory_space<vmem>>[vector<16xi32>], vector<16xf32>,
        %broadcast_in_dim3A_124 = arith.constant 1 : i32
        %broadcast_in_dim3A_125 = vector.broadcast %broadcast_in_dim3A_124 : i32 to vector<16xi32>
        tpu.vector_store_idx %arg7[%broadcast_in_dim3A_125, %add3A_113], %gather3A_123 : memref<10x2560xf32, #tpu.memory_space<vmem>>[vector<16xi32>, vector<16xi32>], vector<16xf32>,
        %add3A_126 = arith.constant 2 : i32
        %add3A_127 = vector.broadcast %add3A_126 : i32 to vector<16xi32>
        %add3A_128 = arith.addi %mul3A_109, %add3A_127 : vector<16xi32>
        %gather3A_129 = tpu.vector_load_idx %arg5[%add3A_128] : memref<1000xf32, #tpu.memory_space<vmem>>[vector<16xi32>], vector<16xf32>,
        %broadcast_in_dim3A_130 = arith.constant 2 : i32
        %broadcast_in_dim3A_131 = vector.broadcast %broadcast_in_dim3A_130 : i32 to vector<16xi32>
        tpu.vector_store_idx %arg7[%broadcast_in_dim3A_131, %add3A_113], %gather3A_129 : memref<10x2560xf32, #tpu.memory_space<vmem>>[vector<16xi32>, vector<16xi32>], vector<16xf32>,
        %add3A_132 = arith.constant 3 : i32
        %add3A_133 = vector.broadcast %add3A_132 : i32 to vector<16xi32>
        %add3A_134 = arith.addi %mul3A_109, %add3A_133 : vector<16xi32>
        %gather3A_135 = tpu.vector_load_idx %arg5[%add3A_134] : memref<1000xf32, #tpu.memory_space<vmem>>[vector<16xi32>], vector<16xf32>,
        %broadcast_in_dim3A_136 = arith.constant 3 : i32
        %broadcast_in_dim3A_137 = vector.broadcast %broadcast_in_dim3A_136 : i32 to vector<16xi32>
        tpu.vector_store_idx %arg7[%broadcast_in_dim3A_137, %add3A_113], %gather3A_135 : memref<10x2560xf32, #tpu.memory_space<vmem>>[vector<16xi32>, vector<16xi32>], vector<16xf32>,
        %add3A_138 = arith.constant 4 : i32
        %add3A_139 = vector.broadcast %add3A_138 : i32 to vector<16xi32>
        %add3A_140 = arith.addi %mul3A_109, %add3A_139 : vector<16xi32>
        %gather3A_141 = tpu.vector_load_idx %arg5[%add3A_140] : memref<1000xf32, #tpu.memory_space<vmem>>[vector<16xi32>], vector<16xf32>,
        %broadcast_in_dim3A_142 = arith.constant 4 : i32
        %broadcast_in_dim3A_143 = vector.broadcast %broadcast_in_dim3A_142 : i32 to vector<16xi32>
        tpu.vector_store_idx %arg7[%broadcast_in_dim3A_143, %add3A_113], %gather3A_141 : memref<10x2560xf32, #tpu.memory_space<vmem>>[vector<16xi32>, vector<16xi32>], vector<16xf32>,
        %add3A_144 = arith.constant 5 : i32
        %add3A_145 = vector.broadcast %add3A_144 : i32 to vector<16xi32>
        %add3A_146 = arith.addi %mul3A_109, %add3A_145 : vector<16xi32>
        %gather3A_147 = tpu.vector_load_idx %arg5[%add3A_146] : memref<1000xf32, #tpu.memory_space<vmem>>[vector<16xi32>], vector<16xf32>,
        %broadcast_in_dim3A_148 = arith.constant 5 : i32
        %broadcast_in_dim3A_149 = vector.broadcast %broadcast_in_dim3A_148 : i32 to vector<16xi32>
        tpu.vector_store_idx %arg7[%broadcast_in_dim3A_149, %add3A_113], %gather3A_147 : memref<10x2560xf32, #tpu.memory_space<vmem>>[vector<16xi32>, vector<16xi32>], vector<16xf32>,
        %add3A_150 = arith.constant 6 : i32
        %add3A_151 = vector.broadcast %add3A_150 : i32 to vector<16xi32>
        %add3A_152 = arith.addi %mul3A_109, %add3A_151 : vector<16xi32>
        %gather3A_153 = tpu.vector_load_idx %arg5[%add3A_152] : memref<1000xf32, #tpu.memory_space<vmem>>[vector<16xi32>], vector<16xf32>,
        %broadcast_in_dim3A_154 = arith.constant 6 : i32
        %broadcast_in_dim3A_155 = vector.broadcast %broadcast_in_dim3A_154 : i32 to vector<16xi32>
        tpu.vector_store_idx %arg7[%broadcast_in_dim3A_155, %add3A_113], %gather3A_153 : memref<10x2560xf32, #tpu.memory_space<vmem>>[vector<16xi32>, vector<16xi32>], vector<16xf32>,
        %add3A_156 = arith.constant 7 : i32
        %add3A_157 = vector.broadcast %add3A_156 : i32 to vector<16xi32>
        %add3A_158 = arith.addi %mul3A_109, %add3A_157 : vector<16xi32>
        %gather3A_159 = tpu.vector_load_idx %arg5[%add3A_158] : memref<1000xf32, #tpu.memory_space<vmem>>[vector<16xi32>], vector<16xf32>,
        %broadcast_in_dim3A_160 = arith.constant 7 : i32
        %broadcast_in_dim3A_161 = vector.broadcast %broadcast_in_dim3A_160 : i32 to vector<16xi32>
        tpu.vector_store_idx %arg7[%broadcast_in_dim3A_161, %add3A_113], %gather3A_159 : memref<10x2560xf32, #tpu.memory_space<vmem>>[vector<16xi32>, vector<16xi32>], vector<16xf32>,
        %add3A_162 = arith.constant 8 : i32
        %add3A_163 = vector.broadcast %add3A_162 : i32 to vector<16xi32>
        %add3A_164 = arith.addi %mul3A_109, %add3A_163 : vector<16xi32>
        %gather3A_165 = tpu.vector_load_idx %arg5[%add3A_164] : memref<1000xf32, #tpu.memory_space<vmem>>[vector<16xi32>], vector<16xf32>,
        %broadcast_in_dim3A_166 = arith.constant 8 : i32
        %broadcast_in_dim3A_167 = vector.broadcast %broadcast_in_dim3A_166 : i32 to vector<16xi32>
        tpu.vector_store_idx %arg7[%broadcast_in_dim3A_167, %add3A_113], %gather3A_165 : memref<10x2560xf32, #tpu.memory_space<vmem>>[vector<16xi32>, vector<16xi32>], vector<16xf32>,
        %add3A_168 = arith.constant 9 : i32
        %add3A_169 = vector.broadcast %add3A_168 : i32 to vector<16xi32>
        %add3A_170 = arith.addi %mul3A_109, %add3A_169 : vector<16xi32>
        %gather3A_171 = tpu.vector_load_idx %arg5[%add3A_170] : memref<1000xf32, #tpu.memory_space<vmem>>[vector<16xi32>], vector<16xf32>,
        %broadcast_in_dim3A_172 = arith.constant 9 : i32
        %broadcast_in_dim3A_173 = vector.broadcast %broadcast_in_dim3A_172 : i32 to vector<16xi32>
        tpu.vector_store_idx %arg7[%broadcast_in_dim3A_173, %add3A_113], %gather3A_171 : memref<10x2560xf32, #tpu.memory_space<vmem>>[vector<16xi32>, vector<16xi32>], vector<16xf32>,
        %scan3A_174 = arith.constant 0 : i32
        %scan3A_175 = arith.constant 2 : i32
        %scan3A_176 = arith.addi %scan3A_30, %scan3A_175 : i32
        %mul3A_177 = arith.constant 16 : i32
        %mul3A_178 = arith.muli %scan3A_176, %mul3A_177 : i32
        %get3A_179 = arith.index_cast %mul3A_178 : i32 to index
        %get3A_180 = tpu.vector_load %arg6[%get3A_179] {strides = array<i32>} : memref<2560xi32, #tpu.memory_space<vmem>>, vector<16xi32>,
        %mul3A_181 = arith.constant 10 : i32
        %mul3A_182 = vector.broadcast %mul3A_181 : i32 to vector<16xi32>
        %mul3A_183 = arith.muli %get3A_180, %mul3A_182 : vector<16xi32>
        %mul3A_184 = arith.constant 16 : i32
        %mul3A_185 = arith.muli %scan3A_176, %mul3A_184 : i32
        %add3A_186 = vector.broadcast %mul3A_185 : i32 to vector<16xi32>
        %add3A_187 = arith.addi %iota3A, %add3A_186 : vector<16xi32>
        %add3A_188 = arith.constant 0 : i32
        %add3A_189 = vector.broadcast %add3A_188 : i32 to vector<16xi32>
        %add3A_190 = arith.addi %mul3A_183, %add3A_189 : vector<16xi32>
        %gather3A_191 = tpu.vector_load_idx %arg5[%add3A_190] : memref<1000xf32, #tpu.memory_space<vmem>>[vector<16xi32>], vector<16xf32>,
        %broadcast_in_dim3A_192 = arith.constant 0 : i32
        %broadcast_in_dim3A_193 = vector.broadcast %broadcast_in_dim3A_192 : i32 to vector<16xi32>
        tpu.vector_store_idx %arg7[%broadcast_in_dim3A_193, %add3A_187], %gather3A_191 : memref<10x2560xf32, #tpu.memory_space<vmem>>[vector<16xi32>, vector<16xi32>], vector<16xf32>,
        %add3A_194 = arith.constant 1 : i32
        %add3A_195 = vector.broadcast %add3A_194 : i32 to vector<16xi32>
        %add3A_196 = arith.addi %mul3A_183, %add3A_195 : vector<16xi32>
        %gather3A_197 = tpu.vector_load_idx %arg5[%add3A_196] : memref<1000xf32, #tpu.memory_space<vmem>>[vector<16xi32>], vector<16xf32>,
        %broadcast_in_dim3A_198 = arith.constant 1 : i32
        %broadcast_in_dim3A_199 = vector.broadcast %broadcast_in_dim3A_198 : i32 to vector<16xi32>
        tpu.vector_store_idx %arg7[%broadcast_in_dim3A_199, %add3A_187], %gather3A_197 : memref<10x2560xf32, #tpu.memory_space<vmem>>[vector<16xi32>, vector<16xi32>], vector<16xf32>,
        %add3A_200 = arith.constant 2 : i32
        %add3A_201 = vector.broadcast %add3A_200 : i32 to vector<16xi32>
        %add3A_202 = arith.addi %mul3A_183, %add3A_201 : vector<16xi32>
        %gather3A_203 = tpu.vector_load_idx %arg5[%add3A_202] : memref<1000xf32, #tpu.memory_space<vmem>>[vector<16xi32>], vector<16xf32>,
        %broadcast_in_dim3A_204 = arith.constant 2 : i32
        %broadcast_in_dim3A_205 = vector.broadcast %broadcast_in_dim3A_204 : i32 to vector<16xi32>
        tpu.vector_store_idx %arg7[%broadcast_in_dim3A_205, %add3A_187], %gather3A_203 : memref<10x2560xf32, #tpu.memory_space<vmem>>[vector<16xi32>, vector<16xi32>], vector<16xf32>,
        %add3A_206 = arith.constant 3 : i32
        %add3A_207 = vector.broadcast %add3A_206 : i32 to vector<16xi32>
        %add3A_208 = arith.addi %mul3A_183, %add3A_207 : vector<16xi32>
        %gather3A_209 = tpu.vector_load_idx %arg5[%add3A_208] : memref<1000xf32, #tpu.memory_space<vmem>>[vector<16xi32>], vector<16xf32>,
        %broadcast_in_dim3A_210 = arith.constant 3 : i32
        %broadcast_in_dim3A_211 = vector.broadcast %broadcast_in_dim3A_210 : i32 to vector<16xi32>
        tpu.vector_store_idx %arg7[%broadcast_in_dim3A_211, %add3A_187], %gather3A_209 : memref<10x2560xf32, #tpu.memory_space<vmem>>[vector<16xi32>, vector<16xi32>], vector<16xf32>,
        %add3A_212 = arith.constant 4 : i32
        %add3A_213 = vector.broadcast %add3A_212 : i32 to vector<16xi32>
        %add3A_214 = arith.addi %mul3A_183, %add3A_213 : vector<16xi32>
        %gather3A_215 = tpu.vector_load_idx %arg5[%add3A_214] : memref<1000xf32, #tpu.memory_space<vmem>>[vector<16xi32>], vector<16xf32>,
        %broadcast_in_dim3A_216 = arith.constant 4 : i32
        %broadcast_in_dim3A_217 = vector.broadcast %broadcast_in_dim3A_216 : i32 to vector<16xi32>
        tpu.vector_store_idx %arg7[%broadcast_in_dim3A_217, %add3A_187], %gather3A_215 : memref<10x2560xf32, #tpu.memory_space<vmem>>[vector<16xi32>, vector<16xi32>], vector<16xf32>,
        %add3A_218 = arith.constant 5 : i32
        %add3A_219 = vector.broadcast %add3A_218 : i32 to vector<16xi32>
        %add3A_220 = arith.addi %mul3A_183, %add3A_219 : vector<16xi32>
        %gather3A_221 = tpu.vector_load_idx %arg5[%add3A_220] : memref<1000xf32, #tpu.memory_space<vmem>>[vector<16xi32>], vector<16xf32>,
        %broadcast_in_dim3A_222 = arith.constant 5 : i32
        %broadcast_in_dim3A_223 = vector.broadcast %broadcast_in_dim3A_222 : i32 to vector<16xi32>
        tpu.vector_store_idx %arg7[%broadcast_in_dim3A_223, %add3A_187], %gather3A_221 : memref<10x2560xf32, #tpu.memory_space<vmem>>[vector<16xi32>, vector<16xi32>], vector<16xf32>,
        %add3A_224 = arith.constant 6 : i32
        %add3A_225 = vector.broadcast %add3A_224 : i32 to vector<16xi32>
        %add3A_226 = arith.addi %mul3A_183, %add3A_225 : vector<16xi32>
        %gather3A_227 = tpu.vector_load_idx %arg5[%add3A_226] : memref<1000xf32, #tpu.memory_space<vmem>>[vector<16xi32>], vector<16xf32>,
        %broadcast_in_dim3A_228 = arith.constant 6 : i32
        %broadcast_in_dim3A_229 = vector.broadcast %broadcast_in_dim3A_228 : i32 to vector<16xi32>
        tpu.vector_store_idx %arg7[%broadcast_in_dim3A_229, %add3A_187], %gather3A_227 : memref<10x2560xf32, #tpu.memory_space<vmem>>[vector<16xi32>, vector<16xi32>], vector<16xf32>,
        %add3A_230 = arith.constant 7 : i32
        %add3A_231 = vector.broadcast %add3A_230 : i32 to vector<16xi32>
        %add3A_232 = arith.addi %mul3A_183, %add3A_231 : vector<16xi32>
        %gather3A_233 = tpu.vector_load_idx %arg5[%add3A_232] : memref<1000xf32, #tpu.memory_space<vmem>>[vector<16xi32>], vector<16xf32>,
        %broadcast_in_dim3A_234 = arith.constant 7 : i32
        %broadcast_in_dim3A_235 = vector.broadcast %broadcast_in_dim3A_234 : i32 to vector<16xi32>
        tpu.vector_store_idx %arg7[%broadcast_in_dim3A_235, %add3A_187], %gather3A_233 : memref<10x2560xf32, #tpu.memory_space<vmem>>[vector<16xi32>, vector<16xi32>], vector<16xf32>,
        %add3A_236 = arith.constant 8 : i32
        %add3A_237 = vector.broadcast %add3A_236 : i32 to vector<16xi32>
        %add3A_238 = arith.addi %mul3A_183, %add3A_237 : vector<16xi32>
        %gather3A_239 = tpu.vector_load_idx %arg5[%add3A_238] : memref<1000xf32, #tpu.memory_space<vmem>>[vector<16xi32>], vector<16xf32>,
        %broadcast_in_dim3A_240 = arith.constant 8 : i32
        %broadcast_in_dim3A_241 = vector.broadcast %broadcast_in_dim3A_240 : i32 to vector<16xi32>
        tpu.vector_store_idx %arg7[%broadcast_in_dim3A_241, %add3A_187], %gather3A_239 : memref<10x2560xf32, #tpu.memory_space<vmem>>[vector<16xi32>, vector<16xi32>], vector<16xf32>,
        %add3A_242 = arith.constant 9 : i32
        %add3A_243 = vector.broadcast %add3A_242 : i32 to vector<16xi32>
        %add3A_244 = arith.addi %mul3A_183, %add3A_243 : vector<16xi32>
        %gather3A_245 = tpu.vector_load_idx %arg5[%add3A_244] : memref<1000xf32, #tpu.memory_space<vmem>>[vector<16xi32>], vector<16xf32>,
        %broadcast_in_dim3A_246 = arith.constant 9 : i32
        %broadcast_in_dim3A_247 = vector.broadcast %broadcast_in_dim3A_246 : i32 to vector<16xi32>
        tpu.vector_store_idx %arg7[%broadcast_in_dim3A_247, %add3A_187], %gather3A_245 : memref<10x2560xf32, #tpu.memory_space<vmem>>[vector<16xi32>, vector<16xi32>], vector<16xf32>,
        %scan3A_248 = arith.constant 0 : i32
        %scan3A_249 = arith.constant 3 : i32
        %scan3A_250 = arith.addi %scan3A_30, %scan3A_249 : i32
        %mul3A_251 = arith.constant 16 : i32
        %mul3A_252 = arith.muli %scan3A_250, %mul3A_251 : i32
        %get3A_253 = arith.index_cast %mul3A_252 : i32 to index
        %get3A_254 = tpu.vector_load %arg6[%get3A_253] {strides = array<i32>} : memref<2560xi32, #tpu.memory_space<vmem>>, vector<16xi32>,
        %mul3A_255 = arith.constant 10 : i32
        %mul3A_256 = vector.broadcast %mul3A_255 : i32 to vector<16xi32>
        %mul3A_257 = arith.muli %get3A_254, %mul3A_256 : vector<16xi32>
        %mul3A_258 = arith.constant 16 : i32
        %mul3A_259 = arith.muli %scan3A_250, %mul3A_258 : i32
        %add3A_260 = vector.broadcast %mul3A_259 : i32 to vector<16xi32>
        %add3A_261 = arith.addi %iota3A, %add3A_260 : vector<16xi32>
        %add3A_262 = arith.constant 0 : i32
        %add3A_263 = vector.broadcast %add3A_262 : i32 to vector<16xi32>
        %add3A_264 = arith.addi %mul3A_257, %add3A_263 : vector<16xi32>
        %gather3A_265 = tpu.vector_load_idx %arg5[%add3A_264] : memref<1000xf32, #tpu.memory_space<vmem>>[vector<16xi32>], vector<16xf32>,
        %broadcast_in_dim3A_266 = arith.constant 0 : i32
        %broadcast_in_dim3A_267 = vector.broadcast %broadcast_in_dim3A_266 : i32 to vector<16xi32>
        tpu.vector_store_idx %arg7[%broadcast_in_dim3A_267, %add3A_261], %gather3A_265 : memref<10x2560xf32, #tpu.memory_space<vmem>>[vector<16xi32>, vector<16xi32>], vector<16xf32>,
        %add3A_268 = arith.constant 1 : i32
        %add3A_269 = vector.broadcast %add3A_268 : i32 to vector<16xi32>
        %add3A_270 = arith.addi %mul3A_257, %add3A_269 : vector<16xi32>
        %gather3A_271 = tpu.vector_load_idx %arg5[%add3A_270] : memref<1000xf32, #tpu.memory_space<vmem>>[vector<16xi32>], vector<16xf32>,
        %broadcast_in_dim3A_272 = arith.constant 1 : i32
        %broadcast_in_dim3A_273 = vector.broadcast %broadcast_in_dim3A_272 : i32 to vector<16xi32>
        tpu.vector_store_idx %arg7[%broadcast_in_dim3A_273, %add3A_261], %gather3A_271 : memref<10x2560xf32, #tpu.memory_space<vmem>>[vector<16xi32>, vector<16xi32>], vector<16xf32>,
        %add3A_274 = arith.constant 2 : i32
        %add3A_275 = vector.broadcast %add3A_274 : i32 to vector<16xi32>
        %add3A_276 = arith.addi %mul3A_257, %add3A_275 : vector<16xi32>
        %gather3A_277 = tpu.vector_load_idx %arg5[%add3A_276] : memref<1000xf32, #tpu.memory_space<vmem>>[vector<16xi32>], vector<16xf32>,
        %broadcast_in_dim3A_278 = arith.constant 2 : i32
        %broadcast_in_dim3A_279 = vector.broadcast %broadcast_in_dim3A_278 : i32 to vector<16xi32>
        tpu.vector_store_idx %arg7[%broadcast_in_dim3A_279, %add3A_261], %gather3A_277 : memref<10x2560xf32, #tpu.memory_space<vmem>>[vector<16xi32>, vector<16xi32>], vector<16xf32>,
        %add3A_280 = arith.constant 3 : i32
        %add3A_281 = vector.broadcast %add3A_280 : i32 to vector<16xi32>
        %add3A_282 = arith.addi %mul3A_257, %add3A_281 : vector<16xi32>
        %gather3A_283 = tpu.vector_load_idx %arg5[%add3A_282] : memref<1000xf32, #tpu.memory_space<vmem>>[vector<16xi32>], vector<16xf32>,
        %broadcast_in_dim3A_284 = arith.constant 3 : i32
        %broadcast_in_dim3A_285 = vector.broadcast %broadcast_in_dim3A_284 : i32 to vector<16xi32>
        tpu.vector_store_idx %arg7[%broadcast_in_dim3A_285, %add3A_261], %gather3A_283 : memref<10x2560xf32, #tpu.memory_space<vmem>>[vector<16xi32>, vector<16xi32>], vector<16xf32>,
        %add3A_286 = arith.constant 4 : i32
        %add3A_287 = vector.broadcast %add3A_286 : i32 to vector<16xi32>
        %add3A_288 = arith.addi %mul3A_257, %add3A_287 : vector<16xi32>
        %gather3A_289 = tpu.vector_load_idx %arg5[%add3A_288] : memref<1000xf32, #tpu.memory_space<vmem>>[vector<16xi32>], vector<16xf32>,
        %broadcast_in_dim3A_290 = arith.constant 4 : i32
        %broadcast_in_dim3A_291 = vector.broadcast %broadcast_in_dim3A_290 : i32 to vector<16xi32>
        tpu.vector_store_idx %arg7[%broadcast_in_dim3A_291, %add3A_261], %gather3A_289 : memref<10x2560xf32, #tpu.memory_space<vmem>>[vector<16xi32>, vector<16xi32>], vector<16xf32>,
        %add3A_292 = arith.constant 5 : i32
        %add3A_293 = vector.broadcast %add3A_292 : i32 to vector<16xi32>
        %add3A_294 = arith.addi %mul3A_257, %add3A_293 : vector<16xi32>
        %gather3A_295 = tpu.vector_load_idx %arg5[%add3A_294] : memref<1000xf32, #tpu.memory_space<vmem>>[vector<16xi32>], vector<16xf32>,
        %broadcast_in_dim3A_296 = arith.constant 5 : i32
        %broadcast_in_dim3A_297 = vector.broadcast %broadcast_in_dim3A_296 : i32 to vector<16xi32>
        tpu.vector_store_idx %arg7[%broadcast_in_dim3A_297, %add3A_261], %gather3A_295 : memref<10x2560xf32, #tpu.memory_space<vmem>>[vector<16xi32>, vector<16xi32>], vector<16xf32>,
        %add3A_298 = arith.constant 6 : i32
        %add3A_299 = vector.broadcast %add3A_298 : i32 to vector<16xi32>
        %add3A_300 = arith.addi %mul3A_257, %add3A_299 : vector<16xi32>
        %gather3A_301 = tpu.vector_load_idx %arg5[%add3A_300] : memref<1000xf32, #tpu.memory_space<vmem>>[vector<16xi32>], vector<16xf32>,
        %broadcast_in_dim3A_302 = arith.constant 6 : i32
        %broadcast_in_dim3A_303 = vector.broadcast %broadcast_in_dim3A_302 : i32 to vector<16xi32>
        tpu.vector_store_idx %arg7[%broadcast_in_dim3A_303, %add3A_261], %gather3A_301 : memref<10x2560xf32, #tpu.memory_space<vmem>>[vector<16xi32>, vector<16xi32>], vector<16xf32>,
        %add3A_304 = arith.constant 7 : i32
        %add3A_305 = vector.broadcast %add3A_304 : i32 to vector<16xi32>
        %add3A_306 = arith.addi %mul3A_257, %add3A_305 : vector<16xi32>
        %gather3A_307 = tpu.vector_load_idx %arg5[%add3A_306] : memref<1000xf32, #tpu.memory_space<vmem>>[vector<16xi32>], vector<16xf32>,
        %broadcast_in_dim3A_308 = arith.constant 7 : i32
        %broadcast_in_dim3A_309 = vector.broadcast %broadcast_in_dim3A_308 : i32 to vector<16xi32>
        tpu.vector_store_idx %arg7[%broadcast_in_dim3A_309, %add3A_261], %gather3A_307 : memref<10x2560xf32, #tpu.memory_space<vmem>>[vector<16xi32>, vector<16xi32>], vector<16xf32>,
        %add3A_310 = arith.constant 8 : i32
        %add3A_311 = vector.broadcast %add3A_310 : i32 to vector<16xi32>
        %add3A_312 = arith.addi %mul3A_257, %add3A_311 : vector<16xi32>
        %gather3A_313 = tpu.vector_load_idx %arg5[%add3A_312] : memref<1000xf32, #tpu.memory_space<vmem>>[vector<16xi32>], vector<16xf32>,
        %broadcast_in_dim3A_314 = arith.constant 8 : i32
        %broadcast_in_dim3A_315 = vector.broadcast %broadcast_in_dim3A_314 : i32 to vector<16xi32>
        tpu.vector_store_idx %arg7[%broadcast_in_dim3A_315, %add3A_261], %gather3A_313 : memref<10x2560xf32, #tpu.memory_space<vmem>>[vector<16xi32>, vector<16xi32>], vector<16xf32>,
        %add3A_316 = arith.constant 9 : i32
        %add3A_317 = vector.broadcast %add3A_316 : i32 to vector<16xi32>
        %add3A_318 = arith.addi %mul3A_257, %add3A_317 : vector<16xi32>
        %gather3A_319 = tpu.vector_load_idx %arg5[%add3A_318] : memref<1000xf32, #tpu.memory_space<vmem>>[vector<16xi32>], vector<16xf32>,
        %broadcast_in_dim3A_320 = arith.constant 9 : i32
        %broadcast_in_dim3A_321 = vector.broadcast %broadcast_in_dim3A_320 : i32 to vector<16xi32>
        tpu.vector_store_idx %arg7[%broadcast_in_dim3A_321, %add3A_261], %gather3A_319 : memref<10x2560xf32, #tpu.memory_space<vmem>>[vector<16xi32>, vector<16xi32>], vector<16xf32>,
        %scan3A_322 = arith.constant 0 : i32
        %scan3A_323 = arith.constant 4 : i32
        %scan3A_324 = arith.addi %scan3A_30, %scan3A_323 : i32
        %mul3A_325 = arith.constant 16 : i32
        %mul3A_326 = arith.muli %scan3A_324, %mul3A_325 : i32
        %get3A_327 = arith.index_cast %mul3A_326 : i32 to index
        %get3A_328 = tpu.vector_load %arg6[%get3A_327] {strides = array<i32>} : memref<2560xi32, #tpu.memory_space<vmem>>, vector<16xi32>,
        %mul3A_329 = arith.constant 10 : i32
        %mul3A_330 = vector.broadcast %mul3A_329 : i32 to vector<16xi32>
        %mul3A_331 = arith.muli %get3A_328, %mul3A_330 : vector<16xi32>
        %mul3A_332 = arith.constant 16 : i32
        %mul3A_333 = arith.muli %scan3A_324, %mul3A_332 : i32
        %add3A_334 = vector.broadcast %mul3A_333 : i32 to vector<16xi32>
        %add3A_335 = arith.addi %iota3A, %add3A_334 : vector<16xi32>
        %add3A_336 = arith.constant 0 : i32
        %add3A_337 = vector.broadcast %add3A_336 : i32 to vector<16xi32>
        %add3A_338 = arith.addi %mul3A_331, %add3A_337 : vector<16xi32>
        %gather3A_339 = tpu.vector_load_idx %arg5[%add3A_338] : memref<1000xf32, #tpu.memory_space<vmem>>[vector<16xi32>], vector<16xf32>,
        %broadcast_in_dim3A_340 = arith.constant 0 : i32
        %broadcast_in_dim3A_341 = vector.broadcast %broadcast_in_dim3A_340 : i32 to vector<16xi32>
        tpu.vector_store_idx %arg7[%broadcast_in_dim3A_341, %add3A_335], %gather3A_339 : memref<10x2560xf32, #tpu.memory_space<vmem>>[vector<16xi32>, vector<16xi32>], vector<16xf32>,
        %add3A_342 = arith.constant 1 : i32
        %add3A_343 = vector.broadcast %add3A_342 : i32 to vector<16xi32>
        %add3A_344 = arith.addi %mul3A_331, %add3A_343 : vector<16xi32>
        %gather3A_345 = tpu.vector_load_idx %arg5[%add3A_344] : memref<1000xf32, #tpu.memory_space<vmem>>[vector<16xi32>], vector<16xf32>,
        %broadcast_in_dim3A_346 = arith.constant 1 : i32
        %broadcast_in_dim3A_347 = vector.broadcast %broadcast_in_dim3A_346 : i32 to vector<16xi32>
        tpu.vector_store_idx %arg7[%broadcast_in_dim3A_347, %add3A_335], %gather3A_345 : memref<10x2560xf32, #tpu.memory_space<vmem>>[vector<16xi32>, vector<16xi32>], vector<16xf32>,
        %add3A_348 = arith.constant 2 : i32
        %add3A_349 = vector.broadcast %add3A_348 : i32 to vector<16xi32>
        %add3A_350 = arith.addi %mul3A_331, %add3A_349 : vector<16xi32>
        %gather3A_351 = tpu.vector_load_idx %arg5[%add3A_350] : memref<1000xf32, #tpu.memory_space<vmem>>[vector<16xi32>], vector<16xf32>,
        %broadcast_in_dim3A_352 = arith.constant 2 : i32
        %broadcast_in_dim3A_353 = vector.broadcast %broadcast_in_dim3A_352 : i32 to vector<16xi32>
        tpu.vector_store_idx %arg7[%broadcast_in_dim3A_353, %add3A_335], %gather3A_351 : memref<10x2560xf32, #tpu.memory_space<vmem>>[vector<16xi32>, vector<16xi32>], vector<16xf32>,
        %add3A_354 = arith.constant 3 : i32
        %add3A_355 = vector.broadcast %add3A_354 : i32 to vector<16xi32>
        %add3A_356 = arith.addi %mul3A_331, %add3A_355 : vector<16xi32>
        %gather3A_357 = tpu.vector_load_idx %arg5[%add3A_356] : memref<1000xf32, #tpu.memory_space<vmem>>[vector<16xi32>], vector<16xf32>,
        %broadcast_in_dim3A_358 = arith.constant 3 : i32
        %broadcast_in_dim3A_359 = vector.broadcast %broadcast_in_dim3A_358 : i32 to vector<16xi32>
        tpu.vector_store_idx %arg7[%broadcast_in_dim3A_359, %add3A_335], %gather3A_357 : memref<10x2560xf32, #tpu.memory_space<vmem>>[vector<16xi32>, vector<16xi32>], vector<16xf32>,
        %add3A_360 = arith.constant 4 : i32
        %add3A_361 = vector.broadcast %add3A_360 : i32 to vector<16xi32>
        %add3A_362 = arith.addi %mul3A_331, %add3A_361 : vector<16xi32>
        %gather3A_363 = tpu.vector_load_idx %arg5[%add3A_362] : memref<1000xf32, #tpu.memory_space<vmem>>[vector<16xi32>], vector<16xf32>,
        %broadcast_in_dim3A_364 = arith.constant 4 : i32
        %broadcast_in_dim3A_365 = vector.broadcast %broadcast_in_dim3A_364 : i32 to vector<16xi32>
        tpu.vector_store_idx %arg7[%broadcast_in_dim3A_365, %add3A_335], %gather3A_363 : memref<10x2560xf32, #tpu.memory_space<vmem>>[vector<16xi32>, vector<16xi32>], vector<16xf32>,
        %add3A_366 = arith.constant 5 : i32
        %add3A_367 = vector.broadcast %add3A_366 : i32 to vector<16xi32>
        %add3A_368 = arith.addi %mul3A_331, %add3A_367 : vector<16xi32>
        %gather3A_369 = tpu.vector_load_idx %arg5[%add3A_368] : memref<1000xf32, #tpu.memory_space<vmem>>[vector<16xi32>], vector<16xf32>,
        %broadcast_in_dim3A_370 = arith.constant 5 : i32
        %broadcast_in_dim3A_371 = vector.broadcast %broadcast_in_dim3A_370 : i32 to vector<16xi32>
        tpu.vector_store_idx %arg7[%broadcast_in_dim3A_371, %add3A_335], %gather3A_369 : memref<10x2560xf32, #tpu.memory_space<vmem>>[vector<16xi32>, vector<16xi32>], vector<16xf32>,
        %add3A_372 = arith.constant 6 : i32
        %add3A_373 = vector.broadcast %add3A_372 : i32 to vector<16xi32>
        %add3A_374 = arith.addi %mul3A_331, %add3A_373 : vector<16xi32>
        %gather3A_375 = tpu.vector_load_idx %arg5[%add3A_374] : memref<1000xf32, #tpu.memory_space<vmem>>[vector<16xi32>], vector<16xf32>,
        %broadcast_in_dim3A_376 = arith.constant 6 : i32
        %broadcast_in_dim3A_377 = vector.broadcast %broadcast_in_dim3A_376 : i32 to vector<16xi32>
        tpu.vector_store_idx %arg7[%broadcast_in_dim3A_377, %add3A_335], %gather3A_375 : memref<10x2560xf32, #tpu.memory_space<vmem>>[vector<16xi32>, vector<16xi32>], vector<16xf32>,
        %add3A_378 = arith.constant 7 : i32
        %add3A_379 = vector.broadcast %add3A_378 : i32 to vector<16xi32>
        %add3A_380 = arith.addi %mul3A_331, %add3A_379 : vector<16xi32>
        %gather3A_381 = tpu.vector_load_idx %arg5[%add3A_380] : memref<1000xf32, #tpu.memory_space<vmem>>[vector<16xi32>], vector<16xf32>,
        %broadcast_in_dim3A_382 = arith.constant 7 : i32
        %broadcast_in_dim3A_383 = vector.broadcast %broadcast_in_dim3A_382 : i32 to vector<16xi32>
        tpu.vector_store_idx %arg7[%broadcast_in_dim3A_383, %add3A_335], %gather3A_381 : memref<10x2560xf32, #tpu.memory_space<vmem>>[vector<16xi32>, vector<16xi32>], vector<16xf32>,
        %add3A_384 = arith.constant 8 : i32
        %add3A_385 = vector.broadcast %add3A_384 : i32 to vector<16xi32>
        %add3A_386 = arith.addi %mul3A_331, %add3A_385 : vector<16xi32>
        %gather3A_387 = tpu.vector_load_idx %arg5[%add3A_386] : memref<1000xf32, #tpu.memory_space<vmem>>[vector<16xi32>], vector<16xf32>,
        %broadcast_in_dim3A_388 = arith.constant 8 : i32
        %broadcast_in_dim3A_389 = vector.broadcast %broadcast_in_dim3A_388 : i32 to vector<16xi32>
        tpu.vector_store_idx %arg7[%broadcast_in_dim3A_389, %add3A_335], %gather3A_387 : memref<10x2560xf32, #tpu.memory_space<vmem>>[vector<16xi32>, vector<16xi32>], vector<16xf32>,
        %add3A_390 = arith.constant 9 : i32
        %add3A_391 = vector.broadcast %add3A_390 : i32 to vector<16xi32>
        %add3A_392 = arith.addi %mul3A_331, %add3A_391 : vector<16xi32>
        %gather3A_393 = tpu.vector_load_idx %arg5[%add3A_392] : memref<1000xf32, #tpu.memory_space<vmem>>[vector<16xi32>], vector<16xf32>,
        %broadcast_in_dim3A_394 = arith.constant 9 : i32
        %broadcast_in_dim3A_395 = vector.broadcast %broadcast_in_dim3A_394 : i32 to vector<16xi32>
        tpu.vector_store_idx %arg7[%broadcast_in_dim3A_395, %add3A_335], %gather3A_393 : memref<10x2560xf32, #tpu.memory_space<vmem>>[vector<16xi32>, vector<16xi32>], vector<16xf32>,
        %scan3A_396 = arith.constant 0 : i32
        %scan3A_397 = arith.constant 5 : i32
        %scan3A_398 = arith.addi %scan3A_30, %scan3A_397 : i32
        %mul3A_399 = arith.constant 16 : i32
        %mul3A_400 = arith.muli %scan3A_398, %mul3A_399 : i32
        %get3A_401 = arith.index_cast %mul3A_400 : i32 to index
        %get3A_402 = tpu.vector_load %arg6[%get3A_401] {strides = array<i32>} : memref<2560xi32, #tpu.memory_space<vmem>>, vector<16xi32>,
        %mul3A_403 = arith.constant 10 : i32
        %mul3A_404 = vector.broadcast %mul3A_403 : i32 to vector<16xi32>
        %mul3A_405 = arith.muli %get3A_402, %mul3A_404 : vector<16xi32>
        %mul3A_406 = arith.constant 16 : i32
        %mul3A_407 = arith.muli %scan3A_398, %mul3A_406 : i32
        %add3A_408 = vector.broadcast %mul3A_407 : i32 to vector<16xi32>
        %add3A_409 = arith.addi %iota3A, %add3A_408 : vector<16xi32>
        %add3A_410 = arith.constant 0 : i32
        %add3A_411 = vector.broadcast %add3A_410 : i32 to vector<16xi32>
        %add3A_412 = arith.addi %mul3A_405, %add3A_411 : vector<16xi32>
        %gather3A_413 = tpu.vector_load_idx %arg5[%add3A_412] : memref<1000xf32, #tpu.memory_space<vmem>>[vector<16xi32>], vector<16xf32>,
        %broadcast_in_dim3A_414 = arith.constant 0 : i32
        %broadcast_in_dim3A_415 = vector.broadcast %broadcast_in_dim3A_414 : i32 to vector<16xi32>
        tpu.vector_store_idx %arg7[%broadcast_in_dim3A_415, %add3A_409], %gather3A_413 : memref<10x2560xf32, #tpu.memory_space<vmem>>[vector<16xi32>, vector<16xi32>], vector<16xf32>,
        %add3A_416 = arith.constant 1 : i32
        %add3A_417 = vector.broadcast %add3A_416 : i32 to vector<16xi32>
        %add3A_418 = arith.addi %mul3A_405, %add3A_417 : vector<16xi32>
        %gather3A_419 = tpu.vector_load_idx %arg5[%add3A_418] : memref<1000xf32, #tpu.memory_space<vmem>>[vector<16xi32>], vector<16xf32>,
        %broadcast_in_dim3A_420 = arith.constant 1 : i32
        %broadcast_in_dim3A_421 = vector.broadcast %broadcast_in_dim3A_420 : i32 to vector<16xi32>
        tpu.vector_store_idx %arg7[%broadcast_in_dim3A_421, %add3A_409], %gather3A_419 : memref<10x2560xf32, #tpu.memory_space<vmem>>[vector<16xi32>, vector<16xi32>], vector<16xf32>,
        %add3A_422 = arith.constant 2 : i32
        %add3A_423 = vector.broadcast %add3A_422 : i32 to vector<16xi32>
        %add3A_424 = arith.addi %mul3A_405, %add3A_423 : vector<16xi32>
        %gather3A_425 = tpu.vector_load_idx %arg5[%add3A_424] : memref<1000xf32, #tpu.memory_space<vmem>>[vector<16xi32>], vector<16xf32>,
        %broadcast_in_dim3A_426 = arith.constant 2 : i32
        %broadcast_in_dim3A_427 = vector.broadcast %broadcast_in_dim3A_426 : i32 to vector<16xi32>
        tpu.vector_store_idx %arg7[%broadcast_in_dim3A_427, %add3A_409], %gather3A_425 : memref<10x2560xf32, #tpu.memory_space<vmem>>[vector<16xi32>, vector<16xi32>], vector<16xf32>,
        %add3A_428 = arith.constant 3 : i32
        %add3A_429 = vector.broadcast %add3A_428 : i32 to vector<16xi32>
        %add3A_430 = arith.addi %mul3A_405, %add3A_429 : vector<16xi32>
        %gather3A_431 = tpu.vector_load_idx %arg5[%add3A_430] : memref<1000xf32, #tpu.memory_space<vmem>>[vector<16xi32>], vector<16xf32>,
        %broadcast_in_dim3A_432 = arith.constant 3 : i32
        %broadcast_in_dim3A_433 = vector.broadcast %broadcast_in_dim3A_432 : i32 to vector<16xi32>
        tpu.vector_store_idx %arg7[%broadcast_in_dim3A_433, %add3A_409], %gather3A_431 : memref<10x2560xf32, #tpu.memory_space<vmem>>[vector<16xi32>, vector<16xi32>], vector<16xf32>,
        %add3A_434 = arith.constant 4 : i32
        %add3A_435 = vector.broadcast %add3A_434 : i32 to vector<16xi32>
        %add3A_436 = arith.addi %mul3A_405, %add3A_435 : vector<16xi32>
        %gather3A_437 = tpu.vector_load_idx %arg5[%add3A_436] : memref<1000xf32, #tpu.memory_space<vmem>>[vector<16xi32>], vector<16xf32>,
        %broadcast_in_dim3A_438 = arith.constant 4 : i32
        %broadcast_in_dim3A_439 = vector.broadcast %broadcast_in_dim3A_438 : i32 to vector<16xi32>
        tpu.vector_store_idx %arg7[%broadcast_in_dim3A_439, %add3A_409], %gather3A_437 : memref<10x2560xf32, #tpu.memory_space<vmem>>[vector<16xi32>, vector<16xi32>], vector<16xf32>,
        %add3A_440 = arith.constant 5 : i32
        %add3A_441 = vector.broadcast %add3A_440 : i32 to vector<16xi32>
        %add3A_442 = arith.addi %mul3A_405, %add3A_441 : vector<16xi32>
        %gather3A_443 = tpu.vector_load_idx %arg5[%add3A_442] : memref<1000xf32, #tpu.memory_space<vmem>>[vector<16xi32>], vector<16xf32>,
        %broadcast_in_dim3A_444 = arith.constant 5 : i32
        %broadcast_in_dim3A_445 = vector.broadcast %broadcast_in_dim3A_444 : i32 to vector<16xi32>
        tpu.vector_store_idx %arg7[%broadcast_in_dim3A_445, %add3A_409], %gather3A_443 : memref<10x2560xf32, #tpu.memory_space<vmem>>[vector<16xi32>, vector<16xi32>], vector<16xf32>,
        %add3A_446 = arith.constant 6 : i32
        %add3A_447 = vector.broadcast %add3A_446 : i32 to vector<16xi32>
        %add3A_448 = arith.addi %mul3A_405, %add3A_447 : vector<16xi32>
        %gather3A_449 = tpu.vector_load_idx %arg5[%add3A_448] : memref<1000xf32, #tpu.memory_space<vmem>>[vector<16xi32>], vector<16xf32>,
        %broadcast_in_dim3A_450 = arith.constant 6 : i32
        %broadcast_in_dim3A_451 = vector.broadcast %broadcast_in_dim3A_450 : i32 to vector<16xi32>
        tpu.vector_store_idx %arg7[%broadcast_in_dim3A_451, %add3A_409], %gather3A_449 : memref<10x2560xf32, #tpu.memory_space<vmem>>[vector<16xi32>, vector<16xi32>], vector<16xf32>,
        %add3A_452 = arith.constant 7 : i32
        %add3A_453 = vector.broadcast %add3A_452 : i32 to vector<16xi32>
        %add3A_454 = arith.addi %mul3A_405, %add3A_453 : vector<16xi32>
        %gather3A_455 = tpu.vector_load_idx %arg5[%add3A_454] : memref<1000xf32, #tpu.memory_space<vmem>>[vector<16xi32>], vector<16xf32>,
        %broadcast_in_dim3A_456 = arith.constant 7 : i32
        %broadcast_in_dim3A_457 = vector.broadcast %broadcast_in_dim3A_456 : i32 to vector<16xi32>
        tpu.vector_store_idx %arg7[%broadcast_in_dim3A_457, %add3A_409], %gather3A_455 : memref<10x2560xf32, #tpu.memory_space<vmem>>[vector<16xi32>, vector<16xi32>], vector<16xf32>,
        %add3A_458 = arith.constant 8 : i32
        %add3A_459 = vector.broadcast %add3A_458 : i32 to vector<16xi32>
        %add3A_460 = arith.addi %mul3A_405, %add3A_459 : vector<16xi32>
        %gather3A_461 = tpu.vector_load_idx %arg5[%add3A_460] : memref<1000xf32, #tpu.memory_space<vmem>>[vector<16xi32>], vector<16xf32>,
        %broadcast_in_dim3A_462 = arith.constant 8 : i32
        %broadcast_in_dim3A_463 = vector.broadcast %broadcast_in_dim3A_462 : i32 to vector<16xi32>
        tpu.vector_store_idx %arg7[%broadcast_in_dim3A_463, %add3A_409], %gather3A_461 : memref<10x2560xf32, #tpu.memory_space<vmem>>[vector<16xi32>, vector<16xi32>], vector<16xf32>,
        %add3A_464 = arith.constant 9 : i32
        %add3A_465 = vector.broadcast %add3A_464 : i32 to vector<16xi32>
        %add3A_466 = arith.addi %mul3A_405, %add3A_465 : vector<16xi32>
        %gather3A_467 = tpu.vector_load_idx %arg5[%add3A_466] : memref<1000xf32, #tpu.memory_space<vmem>>[vector<16xi32>], vector<16xf32>,
        %broadcast_in_dim3A_468 = arith.constant 9 : i32
        %broadcast_in_dim3A_469 = vector.broadcast %broadcast_in_dim3A_468 : i32 to vector<16xi32>
        tpu.vector_store_idx %arg7[%broadcast_in_dim3A_469, %add3A_409], %gather3A_467 : memref<10x2560xf32, #tpu.memory_space<vmem>>[vector<16xi32>, vector<16xi32>], vector<16xf32>,
        %scan3A_470 = arith.constant 0 : i32
        %scan3A_471 = arith.constant 6 : i32
        %scan3A_472 = arith.addi %scan3A_30, %scan3A_471 : i32
        %mul3A_473 = arith.constant 16 : i32
        %mul3A_474 = arith.muli %scan3A_472, %mul3A_473 : i32
        %get3A_475 = arith.index_cast %mul3A_474 : i32 to index
        %get3A_476 = tpu.vector_load %arg6[%get3A_475] {strides = array<i32>} : memref<2560xi32, #tpu.memory_space<vmem>>, vector<16xi32>,
        %mul3A_477 = arith.constant 10 : i32
        %mul3A_478 = vector.broadcast %mul3A_477 : i32 to vector<16xi32>
        %mul3A_479 = arith.muli %get3A_476, %mul3A_478 : vector<16xi32>
        %mul3A_480 = arith.constant 16 : i32
        %mul3A_481 = arith.muli %scan3A_472, %mul3A_480 : i32
        %add3A_482 = vector.broadcast %mul3A_481 : i32 to vector<16xi32>
        %add3A_483 = arith.addi %iota3A, %add3A_482 : vector<16xi32>
        %add3A_484 = arith.constant 0 : i32
        %add3A_485 = vector.broadcast %add3A_484 : i32 to vector<16xi32>
        %add3A_486 = arith.addi %mul3A_479, %add3A_485 : vector<16xi32>
        %gather3A_487 = tpu.vector_load_idx %arg5[%add3A_486] : memref<1000xf32, #tpu.memory_space<vmem>>[vector<16xi32>], vector<16xf32>,
        %broadcast_in_dim3A_488 = arith.constant 0 : i32
        %broadcast_in_dim3A_489 = vector.broadcast %broadcast_in_dim3A_488 : i32 to vector<16xi32>
        tpu.vector_store_idx %arg7[%broadcast_in_dim3A_489, %add3A_483], %gather3A_487 : memref<10x2560xf32, #tpu.memory_space<vmem>>[vector<16xi32>, vector<16xi32>], vector<16xf32>,
        %add3A_490 = arith.constant 1 : i32
        %add3A_491 = vector.broadcast %add3A_490 : i32 to vector<16xi32>
        %add3A_492 = arith.addi %mul3A_479, %add3A_491 : vector<16xi32>
        %gather3A_493 = tpu.vector_load_idx %arg5[%add3A_492] : memref<1000xf32, #tpu.memory_space<vmem>>[vector<16xi32>], vector<16xf32>,
        %broadcast_in_dim3A_494 = arith.constant 1 : i32
        %broadcast_in_dim3A_495 = vector.broadcast %broadcast_in_dim3A_494 : i32 to vector<16xi32>
        tpu.vector_store_idx %arg7[%broadcast_in_dim3A_495, %add3A_483], %gather3A_493 : memref<10x2560xf32, #tpu.memory_space<vmem>>[vector<16xi32>, vector<16xi32>], vector<16xf32>,
        %add3A_496 = arith.constant 2 : i32
        %add3A_497 = vector.broadcast %add3A_496 : i32 to vector<16xi32>
        %add3A_498 = arith.addi %mul3A_479, %add3A_497 : vector<16xi32>
        %gather3A_499 = tpu.vector_load_idx %arg5[%add3A_498] : memref<1000xf32, #tpu.memory_space<vmem>>[vector<16xi32>], vector<16xf32>,
        %broadcast_in_dim3A_500 = arith.constant 2 : i32
        %broadcast_in_dim3A_501 = vector.broadcast %broadcast_in_dim3A_500 : i32 to vector<16xi32>
        tpu.vector_store_idx %arg7[%broadcast_in_dim3A_501, %add3A_483], %gather3A_499 : memref<10x2560xf32, #tpu.memory_space<vmem>>[vector<16xi32>, vector<16xi32>], vector<16xf32>,
        %add3A_502 = arith.constant 3 : i32
        %add3A_503 = vector.broadcast %add3A_502 : i32 to vector<16xi32>
        %add3A_504 = arith.addi %mul3A_479, %add3A_503 : vector<16xi32>
        %gather3A_505 = tpu.vector_load_idx %arg5[%add3A_504] : memref<1000xf32, #tpu.memory_space<vmem>>[vector<16xi32>], vector<16xf32>,
        %broadcast_in_dim3A_506 = arith.constant 3 : i32
        %broadcast_in_dim3A_507 = vector.broadcast %broadcast_in_dim3A_506 : i32 to vector<16xi32>
        tpu.vector_store_idx %arg7[%broadcast_in_dim3A_507, %add3A_483], %gather3A_505 : memref<10x2560xf32, #tpu.memory_space<vmem>>[vector<16xi32>, vector<16xi32>], vector<16xf32>,
        %add3A_508 = arith.constant 4 : i32
        %add3A_509 = vector.broadcast %add3A_508 : i32 to vector<16xi32>
        %add3A_510 = arith.addi %mul3A_479, %add3A_509 : vector<16xi32>
        %gather3A_511 = tpu.vector_load_idx %arg5[%add3A_510] : memref<1000xf32, #tpu.memory_space<vmem>>[vector<16xi32>], vector<16xf32>,
        %broadcast_in_dim3A_512 = arith.constant 4 : i32
        %broadcast_in_dim3A_513 = vector.broadcast %broadcast_in_dim3A_512 : i32 to vector<16xi32>
        tpu.vector_store_idx %arg7[%broadcast_in_dim3A_513, %add3A_483], %gather3A_511 : memref<10x2560xf32, #tpu.memory_space<vmem>>[vector<16xi32>, vector<16xi32>], vector<16xf32>,
        %add3A_514 = arith.constant 5 : i32
        %add3A_515 = vector.broadcast %add3A_514 : i32 to vector<16xi32>
        %add3A_516 = arith.addi %mul3A_479, %add3A_515 : vector<16xi32>
        %gather3A_517 = tpu.vector_load_idx %arg5[%add3A_516] : memref<1000xf32, #tpu.memory_space<vmem>>[vector<16xi32>], vector<16xf32>,
        %broadcast_in_dim3A_518 = arith.constant 5 : i32
        %broadcast_in_dim3A_519 = vector.broadcast %broadcast_in_dim3A_518 : i32 to vector<16xi32>
        tpu.vector_store_idx %arg7[%broadcast_in_dim3A_519, %add3A_483], %gather3A_517 : memref<10x2560xf32, #tpu.memory_space<vmem>>[vector<16xi32>, vector<16xi32>], vector<16xf32>,
        %add3A_520 = arith.constant 6 : i32
        %add3A_521 = vector.broadcast %add3A_520 : i32 to vector<16xi32>
        %add3A_522 = arith.addi %mul3A_479, %add3A_521 : vector<16xi32>
        %gather3A_523 = tpu.vector_load_idx %arg5[%add3A_522] : memref<1000xf32, #tpu.memory_space<vmem>>[vector<16xi32>], vector<16xf32>,
        %broadcast_in_dim3A_524 = arith.constant 6 : i32
        %broadcast_in_dim3A_525 = vector.broadcast %broadcast_in_dim3A_524 : i32 to vector<16xi32>
        tpu.vector_store_idx %arg7[%broadcast_in_dim3A_525, %add3A_483], %gather3A_523 : memref<10x2560xf32, #tpu.memory_space<vmem>>[vector<16xi32>, vector<16xi32>], vector<16xf32>,
        %add3A_526 = arith.constant 7 : i32
        %add3A_527 = vector.broadcast %add3A_526 : i32 to vector<16xi32>
        %add3A_528 = arith.addi %mul3A_479, %add3A_527 : vector<16xi32>
        %gather3A_529 = tpu.vector_load_idx %arg5[%add3A_528] : memref<1000xf32, #tpu.memory_space<vmem>>[vector<16xi32>], vector<16xf32>,
        %broadcast_in_dim3A_530 = arith.constant 7 : i32
        %broadcast_in_dim3A_531 = vector.broadcast %broadcast_in_dim3A_530 : i32 to vector<16xi32>
        tpu.vector_store_idx %arg7[%broadcast_in_dim3A_531, %add3A_483], %gather3A_529 : memref<10x2560xf32, #tpu.memory_space<vmem>>[vector<16xi32>, vector<16xi32>], vector<16xf32>,
        %add3A_532 = arith.constant 8 : i32
        %add3A_533 = vector.broadcast %add3A_532 : i32 to vector<16xi32>
        %add3A_534 = arith.addi %mul3A_479, %add3A_533 : vector<16xi32>
        %gather3A_535 = tpu.vector_load_idx %arg5[%add3A_534] : memref<1000xf32, #tpu.memory_space<vmem>>[vector<16xi32>], vector<16xf32>,
        %broadcast_in_dim3A_536 = arith.constant 8 : i32
        %broadcast_in_dim3A_537 = vector.broadcast %broadcast_in_dim3A_536 : i32 to vector<16xi32>
        tpu.vector_store_idx %arg7[%broadcast_in_dim3A_537, %add3A_483], %gather3A_535 : memref<10x2560xf32, #tpu.memory_space<vmem>>[vector<16xi32>, vector<16xi32>], vector<16xf32>,
        %add3A_538 = arith.constant 9 : i32
        %add3A_539 = vector.broadcast %add3A_538 : i32 to vector<16xi32>
        %add3A_540 = arith.addi %mul3A_479, %add3A_539 : vector<16xi32>
        %gather3A_541 = tpu.vector_load_idx %arg5[%add3A_540] : memref<1000xf32, #tpu.memory_space<vmem>>[vector<16xi32>], vector<16xf32>,
        %broadcast_in_dim3A_542 = arith.constant 9 : i32
        %broadcast_in_dim3A_543 = vector.broadcast %broadcast_in_dim3A_542 : i32 to vector<16xi32>
        tpu.vector_store_idx %arg7[%broadcast_in_dim3A_543, %add3A_483], %gather3A_541 : memref<10x2560xf32, #tpu.memory_space<vmem>>[vector<16xi32>, vector<16xi32>], vector<16xf32>,
        %scan3A_544 = arith.constant 0 : i32
        %scan3A_545 = arith.constant 7 : i32
        %scan3A_546 = arith.addi %scan3A_30, %scan3A_545 : i32
        %mul3A_547 = arith.constant 16 : i32
        %mul3A_548 = arith.muli %scan3A_546, %mul3A_547 : i32
        %get3A_549 = arith.index_cast %mul3A_548 : i32 to index
        %get3A_550 = tpu.vector_load %arg6[%get3A_549] {strides = array<i32>} : memref<2560xi32, #tpu.memory_space<vmem>>, vector<16xi32>,
        %mul3A_551 = arith.constant 10 : i32
        %mul3A_552 = vector.broadcast %mul3A_551 : i32 to vector<16xi32>
        %mul3A_553 = arith.muli %get3A_550, %mul3A_552 : vector<16xi32>
        %mul3A_554 = arith.constant 16 : i32
        %mul3A_555 = arith.muli %scan3A_546, %mul3A_554 : i32
        %add3A_556 = vector.broadcast %mul3A_555 : i32 to vector<16xi32>
        %add3A_557 = arith.addi %iota3A, %add3A_556 : vector<16xi32>
        %add3A_558 = arith.constant 0 : i32
        %add3A_559 = vector.broadcast %add3A_558 : i32 to vector<16xi32>
        %add3A_560 = arith.addi %mul3A_553, %add3A_559 : vector<16xi32>
        %gather3A_561 = tpu.vector_load_idx %arg5[%add3A_560] : memref<1000xf32, #tpu.memory_space<vmem>>[vector<16xi32>], vector<16xf32>,
        %broadcast_in_dim3A_562 = arith.constant 0 : i32
        %broadcast_in_dim3A_563 = vector.broadcast %broadcast_in_dim3A_562 : i32 to vector<16xi32>
        tpu.vector_store_idx %arg7[%broadcast_in_dim3A_563, %add3A_557], %gather3A_561 : memref<10x2560xf32, #tpu.memory_space<vmem>>[vector<16xi32>, vector<16xi32>], vector<16xf32>,
        %add3A_564 = arith.constant 1 : i32
        %add3A_565 = vector.broadcast %add3A_564 : i32 to vector<16xi32>
        %add3A_566 = arith.addi %mul3A_553, %add3A_565 : vector<16xi32>
        %gather3A_567 = tpu.vector_load_idx %arg5[%add3A_566] : memref<1000xf32, #tpu.memory_space<vmem>>[vector<16xi32>], vector<16xf32>,
        %broadcast_in_dim3A_568 = arith.constant 1 : i32
        %broadcast_in_dim3A_569 = vector.broadcast %broadcast_in_dim3A_568 : i32 to vector<16xi32>
        tpu.vector_store_idx %arg7[%broadcast_in_dim3A_569, %add3A_557], %gather3A_567 : memref<10x2560xf32, #tpu.memory_space<vmem>>[vector<16xi32>, vector<16xi32>], vector<16xf32>,
        %add3A_570 = arith.constant 2 : i32
        %add3A_571 = vector.broadcast %add3A_570 : i32 to vector<16xi32>
        %add3A_572 = arith.addi %mul3A_553, %add3A_571 : vector<16xi32>
        %gather3A_573 = tpu.vector_load_idx %arg5[%add3A_572] : memref<1000xf32, #tpu.memory_space<vmem>>[vector<16xi32>], vector<16xf32>,
        %broadcast_in_dim3A_574 = arith.constant 2 : i32
        %broadcast_in_dim3A_575 = vector.broadcast %broadcast_in_dim3A_574 : i32 to vector<16xi32>
        tpu.vector_store_idx %arg7[%broadcast_in_dim3A_575, %add3A_557], %gather3A_573 : memref<10x2560xf32, #tpu.memory_space<vmem>>[vector<16xi32>, vector<16xi32>], vector<16xf32>,
        %add3A_576 = arith.constant 3 : i32
        %add3A_577 = vector.broadcast %add3A_576 : i32 to vector<16xi32>
        %add3A_578 = arith.addi %mul3A_553, %add3A_577 : vector<16xi32>
        %gather3A_579 = tpu.vector_load_idx %arg5[%add3A_578] : memref<1000xf32, #tpu.memory_space<vmem>>[vector<16xi32>], vector<16xf32>,
        %broadcast_in_dim3A_580 = arith.constant 3 : i32
        %broadcast_in_dim3A_581 = vector.broadcast %broadcast_in_dim3A_580 : i32 to vector<16xi32>
        tpu.vector_store_idx %arg7[%broadcast_in_dim3A_581, %add3A_557], %gather3A_579 : memref<10x2560xf32, #tpu.memory_space<vmem>>[vector<16xi32>, vector<16xi32>], vector<16xf32>,
        %add3A_582 = arith.constant 4 : i32
        %add3A_583 = vector.broadcast %add3A_582 : i32 to vector<16xi32>
        %add3A_584 = arith.addi %mul3A_553, %add3A_583 : vector<16xi32>
        %gather3A_585 = tpu.vector_load_idx %arg5[%add3A_584] : memref<1000xf32, #tpu.memory_space<vmem>>[vector<16xi32>], vector<16xf32>,
        %broadcast_in_dim3A_586 = arith.constant 4 : i32
        %broadcast_in_dim3A_587 = vector.broadcast %broadcast_in_dim3A_586 : i32 to vector<16xi32>
        tpu.vector_store_idx %arg7[%broadcast_in_dim3A_587, %add3A_557], %gather3A_585 : memref<10x2560xf32, #tpu.memory_space<vmem>>[vector<16xi32>, vector<16xi32>], vector<16xf32>,
        %add3A_588 = arith.constant 5 : i32
        %add3A_589 = vector.broadcast %add3A_588 : i32 to vector<16xi32>
        %add3A_590 = arith.addi %mul3A_553, %add3A_589 : vector<16xi32>
        %gather3A_591 = tpu.vector_load_idx %arg5[%add3A_590] : memref<1000xf32, #tpu.memory_space<vmem>>[vector<16xi32>], vector<16xf32>,
        %broadcast_in_dim3A_592 = arith.constant 5 : i32
        %broadcast_in_dim3A_593 = vector.broadcast %broadcast_in_dim3A_592 : i32 to vector<16xi32>
        tpu.vector_store_idx %arg7[%broadcast_in_dim3A_593, %add3A_557], %gather3A_591 : memref<10x2560xf32, #tpu.memory_space<vmem>>[vector<16xi32>, vector<16xi32>], vector<16xf32>,
        %add3A_594 = arith.constant 6 : i32
        %add3A_595 = vector.broadcast %add3A_594 : i32 to vector<16xi32>
        %add3A_596 = arith.addi %mul3A_553, %add3A_595 : vector<16xi32>
        %gather3A_597 = tpu.vector_load_idx %arg5[%add3A_596] : memref<1000xf32, #tpu.memory_space<vmem>>[vector<16xi32>], vector<16xf32>,
        %broadcast_in_dim3A_598 = arith.constant 6 : i32
        %broadcast_in_dim3A_599 = vector.broadcast %broadcast_in_dim3A_598 : i32 to vector<16xi32>
        tpu.vector_store_idx %arg7[%broadcast_in_dim3A_599, %add3A_557], %gather3A_597 : memref<10x2560xf32, #tpu.memory_space<vmem>>[vector<16xi32>, vector<16xi32>], vector<16xf32>,
        %add3A_600 = arith.constant 7 : i32
        %add3A_601 = vector.broadcast %add3A_600 : i32 to vector<16xi32>
        %add3A_602 = arith.addi %mul3A_553, %add3A_601 : vector<16xi32>
        %gather3A_603 = tpu.vector_load_idx %arg5[%add3A_602] : memref<1000xf32, #tpu.memory_space<vmem>>[vector<16xi32>], vector<16xf32>,
        %broadcast_in_dim3A_604 = arith.constant 7 : i32
        %broadcast_in_dim3A_605 = vector.broadcast %broadcast_in_dim3A_604 : i32 to vector<16xi32>
        tpu.vector_store_idx %arg7[%broadcast_in_dim3A_605, %add3A_557], %gather3A_603 : memref<10x2560xf32, #tpu.memory_space<vmem>>[vector<16xi32>, vector<16xi32>], vector<16xf32>,
        %add3A_606 = arith.constant 8 : i32
        %add3A_607 = vector.broadcast %add3A_606 : i32 to vector<16xi32>
        %add3A_608 = arith.addi %mul3A_553, %add3A_607 : vector<16xi32>
        %gather3A_609 = tpu.vector_load_idx %arg5[%add3A_608] : memref<1000xf32, #tpu.memory_space<vmem>>[vector<16xi32>], vector<16xf32>,
        %broadcast_in_dim3A_610 = arith.constant 8 : i32
        %broadcast_in_dim3A_611 = vector.broadcast %broadcast_in_dim3A_610 : i32 to vector<16xi32>
        tpu.vector_store_idx %arg7[%broadcast_in_dim3A_611, %add3A_557], %gather3A_609 : memref<10x2560xf32, #tpu.memory_space<vmem>>[vector<16xi32>, vector<16xi32>], vector<16xf32>,
        %add3A_612 = arith.constant 9 : i32
        %add3A_613 = vector.broadcast %add3A_612 : i32 to vector<16xi32>
        %add3A_614 = arith.addi %mul3A_553, %add3A_613 : vector<16xi32>
        %gather3A_615 = tpu.vector_load_idx %arg5[%add3A_614] : memref<1000xf32, #tpu.memory_space<vmem>>[vector<16xi32>], vector<16xf32>,
        %broadcast_in_dim3A_616 = arith.constant 9 : i32
        %broadcast_in_dim3A_617 = vector.broadcast %broadcast_in_dim3A_616 : i32 to vector<16xi32>
        tpu.vector_store_idx %arg7[%broadcast_in_dim3A_617, %add3A_557], %gather3A_615 : memref<10x2560xf32, #tpu.memory_space<vmem>>[vector<16xi32>, vector<16xi32>], vector<16xf32>,
        %scan3A_618 = arith.constant 0 : i32
        scf.yield %scan3A_618 : i32
      }
      %scan3A_28 = arith.constant 160 : i32
      "tpu.region"() ({
        %run_scoped3A = tpu.sem_alloc : memref<!tpu.dma_semaphore, #tpu.memory_space<semaphore_mem>>
        %dma_start3A = arith.constant 0 : i32
        %dma_start3A_30 = tpu.memref_slice %arg4[%dma_start3A, %multiple_of3A] : memref<10x6400000xf32, #tpu.memory_space<hbm>> -> memref<10x2560xf32, #tpu.memory_space<hbm>>
        %dma_start3A_31 = arith.constant 0 : i32
        %dma_start3A_32 = tpu.memref_slice %arg4[%dma_start3A_31, %multiple_of3A] : memref<10x6400000xf32, #tpu.memory_space<hbm>> -> memref<10x2560xf32, #tpu.memory_space<hbm>>
        tpu.enqueue_dma source(%arg7 : memref<10x2560xf32, #tpu.memory_space<vmem>>) target(%dma_start3A_32 : memref<10x2560xf32, #tpu.memory_space<hbm>>) target_semaphore(%run_scoped3A : memref<!tpu.dma_semaphore, #tpu.memory_space<semaphore_mem>>)
        %dma_wait3A = arith.constant 0 : i32
        %dma_wait3A_33 = tpu.memref_slice %arg4[%dma_wait3A, %multiple_of3A] : memref<10x6400000xf32, #tpu.memory_space<hbm>> -> memref<10x2560xf32, #tpu.memory_space<hbm>>
        %dma_wait3A_34 = arith.constant 0 : i32
        %dma_wait3A_35 = tpu.memref_slice %arg4[%dma_wait3A_34, %multiple_of3A] : memref<10x6400000xf32, #tpu.memory_space<hbm>> -> memref<10x2560xf32, #tpu.memory_space<hbm>>
        tpu.wait_dma2 semaphore(%run_scoped3A : memref<!tpu.dma_semaphore, #tpu.memory_space<semaphore_mem>>) src(%arg7 : memref<10x2560xf32, #tpu.memory_space<vmem>>) dst(%dma_wait3A_35 : memref<10x2560xf32, #tpu.memory_space<hbm>>)
        tpu.yield
      }) : () -> ()
      %while3A_29 = arith.constant 0 : i32
      scf.yield %while3A_29 : i32
    }
    %while3A_14 = arith.constant 1 : i32
    %while3A_15 = scf.for %while3A_16 = %while3A_11 to %while3A_7 step %while3A_14 iter_args(%while3A_17 = %while3A_13) -> (i32)  : i32 {
      %mul3A_18 = arith.constant 32 : i32
      %mul3A_19 = arith.muli %while3A_16, %mul3A_18 : i32
      %add3A_20 = arith.addi %add3A, %mul3A_19 : i32
      %mul3A_21 = arith.constant 2560 : i32
      %mul3A_22 = arith.muli %add3A_20, %mul3A_21 : i32
      %multiple_of3A = tpu.assume_multiple %mul3A_22, 128 : i32
      "tpu.region"() ({
        %run_scoped3A = tpu.sem_alloc : memref<!tpu.dma_semaphore, #tpu.memory_space<semaphore_mem>>
        %dma_start3A = tpu.memref_slice %arg2[%multiple_of3A] : memref<6400000xi32, #tpu.memory_space<hbm>> -> memref<2560xi32, #tpu.memory_space<hbm>>
        %dma_start3A_30 = tpu.memref_slice %arg2[%multiple_of3A] : memref<6400000xi32, #tpu.memory_space<hbm>> -> memref<2560xi32, #tpu.memory_space<hbm>>
        tpu.enqueue_dma source(%dma_start3A_30 : memref<2560xi32, #tpu.memory_space<hbm>>) target(%arg6 : memref<2560xi32, #tpu.memory_space<vmem>>) target_semaphore(%run_scoped3A : memref<!tpu.dma_semaphore, #tpu.memory_space<semaphore_mem>>)
        %dma_wait3A = tpu.memref_slice %arg2[%multiple_of3A] : memref<6400000xi32, #tpu.memory_space<hbm>> -> memref<2560xi32, #tpu.memory_space<hbm>>
        %dma_wait3A_31 = tpu.memref_slice %arg2[%multiple_of3A] : memref<6400000xi32, #tpu.memory_space<hbm>> -> memref<2560xi32, #tpu.memory_space<hbm>>
        tpu.wait_dma2 semaphore(%run_scoped3A : memref<!tpu.dma_semaphore, #tpu.memory_space<semaphore_mem>>) src(%dma_wait3A_31 : memref<2560xi32, #tpu.memory_space<hbm>>) dst(%arg6 : memref<2560xi32, #tpu.memory_space<vmem>>)
        tpu.yield
      }) : () -> ()
      %scan3A = arith.constant 0 : i32
      %scan3A_23 = arith.constant 0 : i32
      %scan3A_24 = arith.constant 160 : i32
      %scan3A_25 = arith.addi %scan3A_23, %scan3A_24 : i32
      %scan3A_26 = arith.constant 8 : i32
      %scan3A_27 = scf.for %scan3A_30 = %scan3A_23 to %scan3A_25 step %scan3A_26 iter_args(%scan3A_31 = %scan3A) -> (i32)  : i32 {
        %mul3A_32 = arith.constant 16 : i32
        %mul3A_33 = arith.muli %scan3A_30, %mul3A_32 : i32
        %get3A = arith.index_cast %mul3A_33 : i32 to index
        %get3A_34 = tpu.vector_load %arg6[%get3A] {strides = array<i32>} : memref<2560xi32, #tpu.memory_space<vmem>>, vector<16xi32>,
        %mul3A_35 = arith.constant 10 : i32
        %mul3A_36 = vector.broadcast %mul3A_35 : i32 to vector<16xi32>
        %mul3A_37 = arith.muli %get3A_34, %mul3A_36 : vector<16xi32>
        %mul3A_38 = arith.constant 16 : i32
        %mul3A_39 = arith.muli %scan3A_30, %mul3A_38 : i32
        %add3A_40 = vector.broadcast %mul3A_39 : i32 to vector<16xi32>
        %add3A_41 = arith.addi %iota3A, %add3A_40 : vector<16xi32>
        %add3A_42 = arith.constant 0 : i32
        %add3A_43 = vector.broadcast %add3A_42 : i32 to vector<16xi32>
        %add3A_44 = arith.addi %mul3A_37, %add3A_43 : vector<16xi32>
        %gather3A = tpu.vector_load_idx %arg5[%add3A_44] : memref<1000xf32, #tpu.memory_space<vmem>>[vector<16xi32>], vector<16xf32>,
        %broadcast_in_dim3A = arith.constant 0 : i32
        %broadcast_in_dim3A_45 = vector.broadcast %broadcast_in_dim3A : i32 to vector<16xi32>
        tpu.vector_store_idx %arg7[%broadcast_in_dim3A_45, %add3A_41], %gather3A : memref<10x2560xf32, #tpu.memory_space<vmem>>[vector<16xi32>, vector<16xi32>], vector<16xf32>,
        %add3A_46 = arith.constant 1 : i32
        %add3A_47 = vector.broadcast %add3A_46 : i32 to vector<16xi32>
        %add3A_48 = arith.addi %mul3A_37, %add3A_47 : vector<16xi32>
        %gather3A_49 = tpu.vector_load_idx %arg5[%add3A_48] : memref<1000xf32, #tpu.memory_space<vmem>>[vector<16xi32>], vector<16xf32>,
        %broadcast_in_dim3A_50 = arith.constant 1 : i32
        %broadcast_in_dim3A_51 = vector.broadcast %broadcast_in_dim3A_50 : i32 to vector<16xi32>
        tpu.vector_store_idx %arg7[%broadcast_in_dim3A_51, %add3A_41], %gather3A_49 : memref<10x2560xf32, #tpu.memory_space<vmem>>[vector<16xi32>, vector<16xi32>], vector<16xf32>,
        %add3A_52 = arith.constant 2 : i32
        %add3A_53 = vector.broadcast %add3A_52 : i32 to vector<16xi32>
        %add3A_54 = arith.addi %mul3A_37, %add3A_53 : vector<16xi32>
        %gather3A_55 = tpu.vector_load_idx %arg5[%add3A_54] : memref<1000xf32, #tpu.memory_space<vmem>>[vector<16xi32>], vector<16xf32>,
        %broadcast_in_dim3A_56 = arith.constant 2 : i32
        %broadcast_in_dim3A_57 = vector.broadcast %broadcast_in_dim3A_56 : i32 to vector<16xi32>
        tpu.vector_store_idx %arg7[%broadcast_in_dim3A_57, %add3A_41], %gather3A_55 : memref<10x2560xf32, #tpu.memory_space<vmem>>[vector<16xi32>, vector<16xi32>], vector<16xf32>,
        %add3A_58 = arith.constant 3 : i32
        %add3A_59 = vector.broadcast %add3A_58 : i32 to vector<16xi32>
        %add3A_60 = arith.addi %mul3A_37, %add3A_59 : vector<16xi32>
        %gather3A_61 = tpu.vector_load_idx %arg5[%add3A_60] : memref<1000xf32, #tpu.memory_space<vmem>>[vector<16xi32>], vector<16xf32>,
        %broadcast_in_dim3A_62 = arith.constant 3 : i32
        %broadcast_in_dim3A_63 = vector.broadcast %broadcast_in_dim3A_62 : i32 to vector<16xi32>
        tpu.vector_store_idx %arg7[%broadcast_in_dim3A_63, %add3A_41], %gather3A_61 : memref<10x2560xf32, #tpu.memory_space<vmem>>[vector<16xi32>, vector<16xi32>], vector<16xf32>,
        %add3A_64 = arith.constant 4 : i32
        %add3A_65 = vector.broadcast %add3A_64 : i32 to vector<16xi32>
        %add3A_66 = arith.addi %mul3A_37, %add3A_65 : vector<16xi32>
        %gather3A_67 = tpu.vector_load_idx %arg5[%add3A_66] : memref<1000xf32, #tpu.memory_space<vmem>>[vector<16xi32>], vector<16xf32>,
        %broadcast_in_dim3A_68 = arith.constant 4 : i32
        %broadcast_in_dim3A_69 = vector.broadcast %broadcast_in_dim3A_68 : i32 to vector<16xi32>
        tpu.vector_store_idx %arg7[%broadcast_in_dim3A_69, %add3A_41], %gather3A_67 : memref<10x2560xf32, #tpu.memory_space<vmem>>[vector<16xi32>, vector<16xi32>], vector<16xf32>,
        %add3A_70 = arith.constant 5 : i32
        %add3A_71 = vector.broadcast %add3A_70 : i32 to vector<16xi32>
        %add3A_72 = arith.addi %mul3A_37, %add3A_71 : vector<16xi32>
        %gather3A_73 = tpu.vector_load_idx %arg5[%add3A_72] : memref<1000xf32, #tpu.memory_space<vmem>>[vector<16xi32>], vector<16xf32>,
        %broadcast_in_dim3A_74 = arith.constant 5 : i32
        %broadcast_in_dim3A_75 = vector.broadcast %broadcast_in_dim3A_74 : i32 to vector<16xi32>
        tpu.vector_store_idx %arg7[%broadcast_in_dim3A_75, %add3A_41], %gather3A_73 : memref<10x2560xf32, #tpu.memory_space<vmem>>[vector<16xi32>, vector<16xi32>], vector<16xf32>,
        %add3A_76 = arith.constant 6 : i32
        %add3A_77 = vector.broadcast %add3A_76 : i32 to vector<16xi32>
        %add3A_78 = arith.addi %mul3A_37, %add3A_77 : vector<16xi32>
        %gather3A_79 = tpu.vector_load_idx %arg5[%add3A_78] : memref<1000xf32, #tpu.memory_space<vmem>>[vector<16xi32>], vector<16xf32>,
        %broadcast_in_dim3A_80 = arith.constant 6 : i32
        %broadcast_in_dim3A_81 = vector.broadcast %broadcast_in_dim3A_80 : i32 to vector<16xi32>
        tpu.vector_store_idx %arg7[%broadcast_in_dim3A_81, %add3A_41], %gather3A_79 : memref<10x2560xf32, #tpu.memory_space<vmem>>[vector<16xi32>, vector<16xi32>], vector<16xf32>,
        %add3A_82 = arith.constant 7 : i32
        %add3A_83 = vector.broadcast %add3A_82 : i32 to vector<16xi32>
        %add3A_84 = arith.addi %mul3A_37, %add3A_83 : vector<16xi32>
        %gather3A_85 = tpu.vector_load_idx %arg5[%add3A_84] : memref<1000xf32, #tpu.memory_space<vmem>>[vector<16xi32>], vector<16xf32>,
        %broadcast_in_dim3A_86 = arith.constant 7 : i32
        %broadcast_in_dim3A_87 = vector.broadcast %broadcast_in_dim3A_86 : i32 to vector<16xi32>
        tpu.vector_store_idx %arg7[%broadcast_in_dim3A_87, %add3A_41], %gather3A_85 : memref<10x2560xf32, #tpu.memory_space<vmem>>[vector<16xi32>, vector<16xi32>], vector<16xf32>,
        %add3A_88 = arith.constant 8 : i32
        %add3A_89 = vector.broadcast %add3A_88 : i32 to vector<16xi32>
        %add3A_90 = arith.addi %mul3A_37, %add3A_89 : vector<16xi32>
        %gather3A_91 = tpu.vector_load_idx %arg5[%add3A_90] : memref<1000xf32, #tpu.memory_space<vmem>>[vector<16xi32>], vector<16xf32>,
        %broadcast_in_dim3A_92 = arith.constant 8 : i32
        %broadcast_in_dim3A_93 = vector.broadcast %broadcast_in_dim3A_92 : i32 to vector<16xi32>
        tpu.vector_store_idx %arg7[%broadcast_in_dim3A_93, %add3A_41], %gather3A_91 : memref<10x2560xf32, #tpu.memory_space<vmem>>[vector<16xi32>, vector<16xi32>], vector<16xf32>,
        %add3A_94 = arith.constant 9 : i32
        %add3A_95 = vector.broadcast %add3A_94 : i32 to vector<16xi32>
        %add3A_96 = arith.addi %mul3A_37, %add3A_95 : vector<16xi32>
        %gather3A_97 = tpu.vector_load_idx %arg5[%add3A_96] : memref<1000xf32, #tpu.memory_space<vmem>>[vector<16xi32>], vector<16xf32>,
        %broadcast_in_dim3A_98 = arith.constant 9 : i32
        %broadcast_in_dim3A_99 = vector.broadcast %broadcast_in_dim3A_98 : i32 to vector<16xi32>
        tpu.vector_store_idx %arg7[%broadcast_in_dim3A_99, %add3A_41], %gather3A_97 : memref<10x2560xf32, #tpu.memory_space<vmem>>[vector<16xi32>, vector<16xi32>], vector<16xf32>,
        %scan3A_100 = arith.constant 0 : i32
        %scan3A_101 = arith.constant 1 : i32
        %scan3A_102 = arith.addi %scan3A_30, %scan3A_101 : i32
        %mul3A_103 = arith.constant 16 : i32
        %mul3A_104 = arith.muli %scan3A_102, %mul3A_103 : i32
        %get3A_105 = arith.index_cast %mul3A_104 : i32 to index
        %get3A_106 = tpu.vector_load %arg6[%get3A_105] {strides = array<i32>} : memref<2560xi32, #tpu.memory_space<vmem>>, vector<16xi32>,
        %mul3A_107 = arith.constant 10 : i32
        %mul3A_108 = vector.broadcast %mul3A_107 : i32 to vector<16xi32>
        %mul3A_109 = arith.muli %get3A_106, %mul3A_108 : vector<16xi32>
        %mul3A_110 = arith.constant 16 : i32
        %mul3A_111 = arith.muli %scan3A_102, %mul3A_110 : i32
        %add3A_112 = vector.broadcast %mul3A_111 : i32 to vector<16xi32>
        %add3A_113 = arith.addi %iota3A, %add3A_112 : vector<16xi32>
        %add3A_114 = arith.constant 0 : i32
        %add3A_115 = vector.broadcast %add3A_114 : i32 to vector<16xi32>
        %add3A_116 = arith.addi %mul3A_109, %add3A_115 : vector<16xi32>
        %gather3A_117 = tpu.vector_load_idx %arg5[%add3A_116] : memref<1000xf32, #tpu.memory_space<vmem>>[vector<16xi32>], vector<16xf32>,
        %broadcast_in_dim3A_118 = arith.constant 0 : i32
        %broadcast_in_dim3A_119 = vector.broadcast %broadcast_in_dim3A_118 : i32 to vector<16xi32>
        tpu.vector_store_idx %arg7[%broadcast_in_dim3A_119, %add3A_113], %gather3A_117 : memref<10x2560xf32, #tpu.memory_space<vmem>>[vector<16xi32>, vector<16xi32>], vector<16xf32>,
        %add3A_120 = arith.constant 1 : i32
        %add3A_121 = vector.broadcast %add3A_120 : i32 to vector<16xi32>
        %add3A_122 = arith.addi %mul3A_109, %add3A_121 : vector<16xi32>
        %gather3A_123 = tpu.vector_load_idx %arg5[%add3A_122] : memref<1000xf32, #tpu.memory_space<vmem>>[vector<16xi32>], vector<16xf32>,
        %broadcast_in_dim3A_124 = arith.constant 1 : i32
        %broadcast_in_dim3A_125 = vector.broadcast %broadcast_in_dim3A_124 : i32 to vector<16xi32>
        tpu.vector_store_idx %arg7[%broadcast_in_dim3A_125, %add3A_113], %gather3A_123 : memref<10x2560xf32, #tpu.memory_space<vmem>>[vector<16xi32>, vector<16xi32>], vector<16xf32>,
        %add3A_126 = arith.constant 2 : i32
        %add3A_127 = vector.broadcast %add3A_126 : i32 to vector<16xi32>
        %add3A_128 = arith.addi %mul3A_109, %add3A_127 : vector<16xi32>
        %gather3A_129 = tpu.vector_load_idx %arg5[%add3A_128] : memref<1000xf32, #tpu.memory_space<vmem>>[vector<16xi32>], vector<16xf32>,
        %broadcast_in_dim3A_130 = arith.constant 2 : i32
        %broadcast_in_dim3A_131 = vector.broadcast %broadcast_in_dim3A_130 : i32 to vector<16xi32>
        tpu.vector_store_idx %arg7[%broadcast_in_dim3A_131, %add3A_113], %gather3A_129 : memref<10x2560xf32, #tpu.memory_space<vmem>>[vector<16xi32>, vector<16xi32>], vector<16xf32>,
        %add3A_132 = arith.constant 3 : i32
        %add3A_133 = vector.broadcast %add3A_132 : i32 to vector<16xi32>
        %add3A_134 = arith.addi %mul3A_109, %add3A_133 : vector<16xi32>
        %gather3A_135 = tpu.vector_load_idx %arg5[%add3A_134] : memref<1000xf32, #tpu.memory_space<vmem>>[vector<16xi32>], vector<16xf32>,
        %broadcast_in_dim3A_136 = arith.constant 3 : i32
        %broadcast_in_dim3A_137 = vector.broadcast %broadcast_in_dim3A_136 : i32 to vector<16xi32>
        tpu.vector_store_idx %arg7[%broadcast_in_dim3A_137, %add3A_113], %gather3A_135 : memref<10x2560xf32, #tpu.memory_space<vmem>>[vector<16xi32>, vector<16xi32>], vector<16xf32>,
        %add3A_138 = arith.constant 4 : i32
        %add3A_139 = vector.broadcast %add3A_138 : i32 to vector<16xi32>
        %add3A_140 = arith.addi %mul3A_109, %add3A_139 : vector<16xi32>
        %gather3A_141 = tpu.vector_load_idx %arg5[%add3A_140] : memref<1000xf32, #tpu.memory_space<vmem>>[vector<16xi32>], vector<16xf32>,
        %broadcast_in_dim3A_142 = arith.constant 4 : i32
        %broadcast_in_dim3A_143 = vector.broadcast %broadcast_in_dim3A_142 : i32 to vector<16xi32>
        tpu.vector_store_idx %arg7[%broadcast_in_dim3A_143, %add3A_113], %gather3A_141 : memref<10x2560xf32, #tpu.memory_space<vmem>>[vector<16xi32>, vector<16xi32>], vector<16xf32>,
        %add3A_144 = arith.constant 5 : i32
        %add3A_145 = vector.broadcast %add3A_144 : i32 to vector<16xi32>
        %add3A_146 = arith.addi %mul3A_109, %add3A_145 : vector<16xi32>
        %gather3A_147 = tpu.vector_load_idx %arg5[%add3A_146] : memref<1000xf32, #tpu.memory_space<vmem>>[vector<16xi32>], vector<16xf32>,
        %broadcast_in_dim3A_148 = arith.constant 5 : i32
        %broadcast_in_dim3A_149 = vector.broadcast %broadcast_in_dim3A_148 : i32 to vector<16xi32>
        tpu.vector_store_idx %arg7[%broadcast_in_dim3A_149, %add3A_113], %gather3A_147 : memref<10x2560xf32, #tpu.memory_space<vmem>>[vector<16xi32>, vector<16xi32>], vector<16xf32>,
        %add3A_150 = arith.constant 6 : i32
        %add3A_151 = vector.broadcast %add3A_150 : i32 to vector<16xi32>
        %add3A_152 = arith.addi %mul3A_109, %add3A_151 : vector<16xi32>
        %gather3A_153 = tpu.vector_load_idx %arg5[%add3A_152] : memref<1000xf32, #tpu.memory_space<vmem>>[vector<16xi32>], vector<16xf32>,
        %broadcast_in_dim3A_154 = arith.constant 6 : i32
        %broadcast_in_dim3A_155 = vector.broadcast %broadcast_in_dim3A_154 : i32 to vector<16xi32>
        tpu.vector_store_idx %arg7[%broadcast_in_dim3A_155, %add3A_113], %gather3A_153 : memref<10x2560xf32, #tpu.memory_space<vmem>>[vector<16xi32>, vector<16xi32>], vector<16xf32>,
        %add3A_156 = arith.constant 7 : i32
        %add3A_157 = vector.broadcast %add3A_156 : i32 to vector<16xi32>
        %add3A_158 = arith.addi %mul3A_109, %add3A_157 : vector<16xi32>
        %gather3A_159 = tpu.vector_load_idx %arg5[%add3A_158] : memref<1000xf32, #tpu.memory_space<vmem>>[vector<16xi32>], vector<16xf32>,
        %broadcast_in_dim3A_160 = arith.constant 7 : i32
        %broadcast_in_dim3A_161 = vector.broadcast %broadcast_in_dim3A_160 : i32 to vector<16xi32>
        tpu.vector_store_idx %arg7[%broadcast_in_dim3A_161, %add3A_113], %gather3A_159 : memref<10x2560xf32, #tpu.memory_space<vmem>>[vector<16xi32>, vector<16xi32>], vector<16xf32>,
        %add3A_162 = arith.constant 8 : i32
        %add3A_163 = vector.broadcast %add3A_162 : i32 to vector<16xi32>
        %add3A_164 = arith.addi %mul3A_109, %add3A_163 : vector<16xi32>
        %gather3A_165 = tpu.vector_load_idx %arg5[%add3A_164] : memref<1000xf32, #tpu.memory_space<vmem>>[vector<16xi32>], vector<16xf32>,
        %broadcast_in_dim3A_166 = arith.constant 8 : i32
        %broadcast_in_dim3A_167 = vector.broadcast %broadcast_in_dim3A_166 : i32 to vector<16xi32>
        tpu.vector_store_idx %arg7[%broadcast_in_dim3A_167, %add3A_113], %gather3A_165 : memref<10x2560xf32, #tpu.memory_space<vmem>>[vector<16xi32>, vector<16xi32>], vector<16xf32>,
        %add3A_168 = arith.constant 9 : i32
        %add3A_169 = vector.broadcast %add3A_168 : i32 to vector<16xi32>
        %add3A_170 = arith.addi %mul3A_109, %add3A_169 : vector<16xi32>
        %gather3A_171 = tpu.vector_load_idx %arg5[%add3A_170] : memref<1000xf32, #tpu.memory_space<vmem>>[vector<16xi32>], vector<16xf32>,
        %broadcast_in_dim3A_172 = arith.constant 9 : i32
        %broadcast_in_dim3A_173 = vector.broadcast %broadcast_in_dim3A_172 : i32 to vector<16xi32>
        tpu.vector_store_idx %arg7[%broadcast_in_dim3A_173, %add3A_113], %gather3A_171 : memref<10x2560xf32, #tpu.memory_space<vmem>>[vector<16xi32>, vector<16xi32>], vector<16xf32>,
        %scan3A_174 = arith.constant 0 : i32
        %scan3A_175 = arith.constant 2 : i32
        %scan3A_176 = arith.addi %scan3A_30, %scan3A_175 : i32
        %mul3A_177 = arith.constant 16 : i32
        %mul3A_178 = arith.muli %scan3A_176, %mul3A_177 : i32
        %get3A_179 = arith.index_cast %mul3A_178 : i32 to index
        %get3A_180 = tpu.vector_load %arg6[%get3A_179] {strides = array<i32>} : memref<2560xi32, #tpu.memory_space<vmem>>, vector<16xi32>,
        %mul3A_181 = arith.constant 10 : i32
        %mul3A_182 = vector.broadcast %mul3A_181 : i32 to vector<16xi32>
        %mul3A_183 = arith.muli %get3A_180, %mul3A_182 : vector<16xi32>
        %mul3A_184 = arith.constant 16 : i32
        %mul3A_185 = arith.muli %scan3A_176, %mul3A_184 : i32
        %add3A_186 = vector.broadcast %mul3A_185 : i32 to vector<16xi32>
        %add3A_187 = arith.addi %iota3A, %add3A_186 : vector<16xi32>
        %add3A_188 = arith.constant 0 : i32
        %add3A_189 = vector.broadcast %add3A_188 : i32 to vector<16xi32>
        %add3A_190 = arith.addi %mul3A_183, %add3A_189 : vector<16xi32>
        %gather3A_191 = tpu.vector_load_idx %arg5[%add3A_190] : memref<1000xf32, #tpu.memory_space<vmem>>[vector<16xi32>], vector<16xf32>,
        %broadcast_in_dim3A_192 = arith.constant 0 : i32
        %broadcast_in_dim3A_193 = vector.broadcast %broadcast_in_dim3A_192 : i32 to vector<16xi32>
        tpu.vector_store_idx %arg7[%broadcast_in_dim3A_193, %add3A_187], %gather3A_191 : memref<10x2560xf32, #tpu.memory_space<vmem>>[vector<16xi32>, vector<16xi32>], vector<16xf32>,
        %add3A_194 = arith.constant 1 : i32
        %add3A_195 = vector.broadcast %add3A_194 : i32 to vector<16xi32>
        %add3A_196 = arith.addi %mul3A_183, %add3A_195 : vector<16xi32>
        %gather3A_197 = tpu.vector_load_idx %arg5[%add3A_196] : memref<1000xf32, #tpu.memory_space<vmem>>[vector<16xi32>], vector<16xf32>,
        %broadcast_in_dim3A_198 = arith.constant 1 : i32
        %broadcast_in_dim3A_199 = vector.broadcast %broadcast_in_dim3A_198 : i32 to vector<16xi32>
        tpu.vector_store_idx %arg7[%broadcast_in_dim3A_199, %add3A_187], %gather3A_197 : memref<10x2560xf32, #tpu.memory_space<vmem>>[vector<16xi32>, vector<16xi32>], vector<16xf32>,
        %add3A_200 = arith.constant 2 : i32
        %add3A_201 = vector.broadcast %add3A_200 : i32 to vector<16xi32>
        %add3A_202 = arith.addi %mul3A_183, %add3A_201 : vector<16xi32>
        %gather3A_203 = tpu.vector_load_idx %arg5[%add3A_202] : memref<1000xf32, #tpu.memory_space<vmem>>[vector<16xi32>], vector<16xf32>,
        %broadcast_in_dim3A_204 = arith.constant 2 : i32
        %broadcast_in_dim3A_205 = vector.broadcast %broadcast_in_dim3A_204 : i32 to vector<16xi32>
        tpu.vector_store_idx %arg7[%broadcast_in_dim3A_205, %add3A_187], %gather3A_203 : memref<10x2560xf32, #tpu.memory_space<vmem>>[vector<16xi32>, vector<16xi32>], vector<16xf32>,
        %add3A_206 = arith.constant 3 : i32
        %add3A_207 = vector.broadcast %add3A_206 : i32 to vector<16xi32>
        %add3A_208 = arith.addi %mul3A_183, %add3A_207 : vector<16xi32>
        %gather3A_209 = tpu.vector_load_idx %arg5[%add3A_208] : memref<1000xf32, #tpu.memory_space<vmem>>[vector<16xi32>], vector<16xf32>,
        %broadcast_in_dim3A_210 = arith.constant 3 : i32
        %broadcast_in_dim3A_211 = vector.broadcast %broadcast_in_dim3A_210 : i32 to vector<16xi32>
        tpu.vector_store_idx %arg7[%broadcast_in_dim3A_211, %add3A_187], %gather3A_209 : memref<10x2560xf32, #tpu.memory_space<vmem>>[vector<16xi32>, vector<16xi32>], vector<16xf32>,
        %add3A_212 = arith.constant 4 : i32
        %add3A_213 = vector.broadcast %add3A_212 : i32 to vector<16xi32>
        %add3A_214 = arith.addi %mul3A_183, %add3A_213 : vector<16xi32>
        %gather3A_215 = tpu.vector_load_idx %arg5[%add3A_214] : memref<1000xf32, #tpu.memory_space<vmem>>[vector<16xi32>], vector<16xf32>,
        %broadcast_in_dim3A_216 = arith.constant 4 : i32
        %broadcast_in_dim3A_217 = vector.broadcast %broadcast_in_dim3A_216 : i32 to vector<16xi32>
        tpu.vector_store_idx %arg7[%broadcast_in_dim3A_217, %add3A_187], %gather3A_215 : memref<10x2560xf32, #tpu.memory_space<vmem>>[vector<16xi32>, vector<16xi32>], vector<16xf32>,
        %add3A_218 = arith.constant 5 : i32
        %add3A_219 = vector.broadcast %add3A_218 : i32 to vector<16xi32>
        %add3A_220 = arith.addi %mul3A_183, %add3A_219 : vector<16xi32>
        %gather3A_221 = tpu.vector_load_idx %arg5[%add3A_220] : memref<1000xf32, #tpu.memory_space<vmem>>[vector<16xi32>], vector<16xf32>,
        %broadcast_in_dim3A_222 = arith.constant 5 : i32
        %broadcast_in_dim3A_223 = vector.broadcast %broadcast_in_dim3A_222 : i32 to vector<16xi32>
        tpu.vector_store_idx %arg7[%broadcast_in_dim3A_223, %add3A_187], %gather3A_221 : memref<10x2560xf32, #tpu.memory_space<vmem>>[vector<16xi32>, vector<16xi32>], vector<16xf32>,
        %add3A_224 = arith.constant 6 : i32
        %add3A_225 = vector.broadcast %add3A_224 : i32 to vector<16xi32>
        %add3A_226 = arith.addi %mul3A_183, %add3A_225 : vector<16xi32>
        %gather3A_227 = tpu.vector_load_idx %arg5[%add3A_226] : memref<1000xf32, #tpu.memory_space<vmem>>[vector<16xi32>], vector<16xf32>,
        %broadcast_in_dim3A_228 = arith.constant 6 : i32
        %broadcast_in_dim3A_229 = vector.broadcast %broadcast_in_dim3A_228 : i32 to vector<16xi32>
        tpu.vector_store_idx %arg7[%broadcast_in_dim3A_229, %add3A_187], %gather3A_227 : memref<10x2560xf32, #tpu.memory_space<vmem>>[vector<16xi32>, vector<16xi32>], vector<16xf32>,
        %add3A_230 = arith.constant 7 : i32
        %add3A_231 = vector.broadcast %add3A_230 : i32 to vector<16xi32>
        %add3A_232 = arith.addi %mul3A_183, %add3A_231 : vector<16xi32>
        %gather3A_233 = tpu.vector_load_idx %arg5[%add3A_232] : memref<1000xf32, #tpu.memory_space<vmem>>[vector<16xi32>], vector<16xf32>,
        %broadcast_in_dim3A_234 = arith.constant 7 : i32
        %broadcast_in_dim3A_235 = vector.broadcast %broadcast_in_dim3A_234 : i32 to vector<16xi32>
        tpu.vector_store_idx %arg7[%broadcast_in_dim3A_235, %add3A_187], %gather3A_233 : memref<10x2560xf32, #tpu.memory_space<vmem>>[vector<16xi32>, vector<16xi32>], vector<16xf32>,
        %add3A_236 = arith.constant 8 : i32
        %add3A_237 = vector.broadcast %add3A_236 : i32 to vector<16xi32>
        %add3A_238 = arith.addi %mul3A_183, %add3A_237 : vector<16xi32>
        %gather3A_239 = tpu.vector_load_idx %arg5[%add3A_238] : memref<1000xf32, #tpu.memory_space<vmem>>[vector<16xi32>], vector<16xf32>,
        %broadcast_in_dim3A_240 = arith.constant 8 : i32
        %broadcast_in_dim3A_241 = vector.broadcast %broadcast_in_dim3A_240 : i32 to vector<16xi32>
        tpu.vector_store_idx %arg7[%broadcast_in_dim3A_241, %add3A_187], %gather3A_239 : memref<10x2560xf32, #tpu.memory_space<vmem>>[vector<16xi32>, vector<16xi32>], vector<16xf32>,
        %add3A_242 = arith.constant 9 : i32
        %add3A_243 = vector.broadcast %add3A_242 : i32 to vector<16xi32>
        %add3A_244 = arith.addi %mul3A_183, %add3A_243 : vector<16xi32>
        %gather3A_245 = tpu.vector_load_idx %arg5[%add3A_244] : memref<1000xf32, #tpu.memory_space<vmem>>[vector<16xi32>], vector<16xf32>,
        %broadcast_in_dim3A_246 = arith.constant 9 : i32
        %broadcast_in_dim3A_247 = vector.broadcast %broadcast_in_dim3A_246 : i32 to vector<16xi32>
        tpu.vector_store_idx %arg7[%broadcast_in_dim3A_247, %add3A_187], %gather3A_245 : memref<10x2560xf32, #tpu.memory_space<vmem>>[vector<16xi32>, vector<16xi32>], vector<16xf32>,
        %scan3A_248 = arith.constant 0 : i32
        %scan3A_249 = arith.constant 3 : i32
        %scan3A_250 = arith.addi %scan3A_30, %scan3A_249 : i32
        %mul3A_251 = arith.constant 16 : i32
        %mul3A_252 = arith.muli %scan3A_250, %mul3A_251 : i32
        %get3A_253 = arith.index_cast %mul3A_252 : i32 to index
        %get3A_254 = tpu.vector_load %arg6[%get3A_253] {strides = array<i32>} : memref<2560xi32, #tpu.memory_space<vmem>>, vector<16xi32>,
        %mul3A_255 = arith.constant 10 : i32
        %mul3A_256 = vector.broadcast %mul3A_255 : i32 to vector<16xi32>
        %mul3A_257 = arith.muli %get3A_254, %mul3A_256 : vector<16xi32>
        %mul3A_258 = arith.constant 16 : i32
        %mul3A_259 = arith.muli %scan3A_250, %mul3A_258 : i32
        %add3A_260 = vector.broadcast %mul3A_259 : i32 to vector<16xi32>
        %add3A_261 = arith.addi %iota3A, %add3A_260 : vector<16xi32>
        %add3A_262 = arith.constant 0 : i32
        %add3A_263 = vector.broadcast %add3A_262 : i32 to vector<16xi32>
        %add3A_264 = arith.addi %mul3A_257, %add3A_263 : vector<16xi32>
        %gather3A_265 = tpu.vector_load_idx %arg5[%add3A_264] : memref<1000xf32, #tpu.memory_space<vmem>>[vector<16xi32>], vector<16xf32>,
        %broadcast_in_dim3A_266 = arith.constant 0 : i32
        %broadcast_in_dim3A_267 = vector.broadcast %broadcast_in_dim3A_266 : i32 to vector<16xi32>
        tpu.vector_store_idx %arg7[%broadcast_in_dim3A_267, %add3A_261], %gather3A_265 : memref<10x2560xf32, #tpu.memory_space<vmem>>[vector<16xi32>, vector<16xi32>], vector<16xf32>,
        %add3A_268 = arith.constant 1 : i32
        %add3A_269 = vector.broadcast %add3A_268 : i32 to vector<16xi32>
        %add3A_270 = arith.addi %mul3A_257, %add3A_269 : vector<16xi32>
        %gather3A_271 = tpu.vector_load_idx %arg5[%add3A_270] : memref<1000xf32, #tpu.memory_space<vmem>>[vector<16xi32>], vector<16xf32>,
        %broadcast_in_dim3A_272 = arith.constant 1 : i32
        %broadcast_in_dim3A_273 = vector.broadcast %broadcast_in_dim3A_272 : i32 to vector<16xi32>
        tpu.vector_store_idx %arg7[%broadcast_in_dim3A_273, %add3A_261], %gather3A_271 : memref<10x2560xf32, #tpu.memory_space<vmem>>[vector<16xi32>, vector<16xi32>], vector<16xf32>,
        %add3A_274 = arith.constant 2 : i32
        %add3A_275 = vector.broadcast %add3A_274 : i32 to vector<16xi32>
        %add3A_276 = arith.addi %mul3A_257, %add3A_275 : vector<16xi32>
        %gather3A_277 = tpu.vector_load_idx %arg5[%add3A_276] : memref<1000xf32, #tpu.memory_space<vmem>>[vector<16xi32>], vector<16xf32>,
        %broadcast_in_dim3A_278 = arith.constant 2 : i32
        %broadcast_in_dim3A_279 = vector.broadcast %broadcast_in_dim3A_278 : i32 to vector<16xi32>
        tpu.vector_store_idx %arg7[%broadcast_in_dim3A_279, %add3A_261], %gather3A_277 : memref<10x2560xf32, #tpu.memory_space<vmem>>[vector<16xi32>, vector<16xi32>], vector<16xf32>,
        %add3A_280 = arith.constant 3 : i32
        %add3A_281 = vector.broadcast %add3A_280 : i32 to vector<16xi32>
        %add3A_282 = arith.addi %mul3A_257, %add3A_281 : vector<16xi32>
        %gather3A_283 = tpu.vector_load_idx %arg5[%add3A_282] : memref<1000xf32, #tpu.memory_space<vmem>>[vector<16xi32>], vector<16xf32>,
        %broadcast_in_dim3A_284 = arith.constant 3 : i32
        %broadcast_in_dim3A_285 = vector.broadcast %broadcast_in_dim3A_284 : i32 to vector<16xi32>
        tpu.vector_store_idx %arg7[%broadcast_in_dim3A_285, %add3A_261], %gather3A_283 : memref<10x2560xf32, #tpu.memory_space<vmem>>[vector<16xi32>, vector<16xi32>], vector<16xf32>,
        %add3A_286 = arith.constant 4 : i32
        %add3A_287 = vector.broadcast %add3A_286 : i32 to vector<16xi32>
        %add3A_288 = arith.addi %mul3A_257, %add3A_287 : vector<16xi32>
        %gather3A_289 = tpu.vector_load_idx %arg5[%add3A_288] : memref<1000xf32, #tpu.memory_space<vmem>>[vector<16xi32>], vector<16xf32>,
        %broadcast_in_dim3A_290 = arith.constant 4 : i32
        %broadcast_in_dim3A_291 = vector.broadcast %broadcast_in_dim3A_290 : i32 to vector<16xi32>
        tpu.vector_store_idx %arg7[%broadcast_in_dim3A_291, %add3A_261], %gather3A_289 : memref<10x2560xf32, #tpu.memory_space<vmem>>[vector<16xi32>, vector<16xi32>], vector<16xf32>,
        %add3A_292 = arith.constant 5 : i32
        %add3A_293 = vector.broadcast %add3A_292 : i32 to vector<16xi32>
        %add3A_294 = arith.addi %mul3A_257, %add3A_293 : vector<16xi32>
        %gather3A_295 = tpu.vector_load_idx %arg5[%add3A_294] : memref<1000xf32, #tpu.memory_space<vmem>>[vector<16xi32>], vector<16xf32>,
        %broadcast_in_dim3A_296 = arith.constant 5 : i32
        %broadcast_in_dim3A_297 = vector.broadcast %broadcast_in_dim3A_296 : i32 to vector<16xi32>
        tpu.vector_store_idx %arg7[%broadcast_in_dim3A_297, %add3A_261], %gather3A_295 : memref<10x2560xf32, #tpu.memory_space<vmem>>[vector<16xi32>, vector<16xi32>], vector<16xf32>,
        %add3A_298 = arith.constant 6 : i32
        %add3A_299 = vector.broadcast %add3A_298 : i32 to vector<16xi32>
        %add3A_300 = arith.addi %mul3A_257, %add3A_299 : vector<16xi32>
        %gather3A_301 = tpu.vector_load_idx %arg5[%add3A_300] : memref<1000xf32, #tpu.memory_space<vmem>>[vector<16xi32>], vector<16xf32>,
        %broadcast_in_dim3A_302 = arith.constant 6 : i32
        %broadcast_in_dim3A_303 = vector.broadcast %broadcast_in_dim3A_302 : i32 to vector<16xi32>
        tpu.vector_store_idx %arg7[%broadcast_in_dim3A_303, %add3A_261], %gather3A_301 : memref<10x2560xf32, #tpu.memory_space<vmem>>[vector<16xi32>, vector<16xi32>], vector<16xf32>,
        %add3A_304 = arith.constant 7 : i32
        %add3A_305 = vector.broadcast %add3A_304 : i32 to vector<16xi32>
        %add3A_306 = arith.addi %mul3A_257, %add3A_305 : vector<16xi32>
        %gather3A_307 = tpu.vector_load_idx %arg5[%add3A_306] : memref<1000xf32, #tpu.memory_space<vmem>>[vector<16xi32>], vector<16xf32>,
        %broadcast_in_dim3A_308 = arith.constant 7 : i32
        %broadcast_in_dim3A_309 = vector.broadcast %broadcast_in_dim3A_308 : i32 to vector<16xi32>
        tpu.vector_store_idx %arg7[%broadcast_in_dim3A_309, %add3A_261], %gather3A_307 : memref<10x2560xf32, #tpu.memory_space<vmem>>[vector<16xi32>, vector<16xi32>], vector<16xf32>,
        %add3A_310 = arith.constant 8 : i32
        %add3A_311 = vector.broadcast %add3A_310 : i32 to vector<16xi32>
        %add3A_312 = arith.addi %mul3A_257, %add3A_311 : vector<16xi32>
        %gather3A_313 = tpu.vector_load_idx %arg5[%add3A_312] : memref<1000xf32, #tpu.memory_space<vmem>>[vector<16xi32>], vector<16xf32>,
        %broadcast_in_dim3A_314 = arith.constant 8 : i32
        %broadcast_in_dim3A_315 = vector.broadcast %broadcast_in_dim3A_314 : i32 to vector<16xi32>
        tpu.vector_store_idx %arg7[%broadcast_in_dim3A_315, %add3A_261], %gather3A_313 : memref<10x2560xf32, #tpu.memory_space<vmem>>[vector<16xi32>, vector<16xi32>], vector<16xf32>,
        %add3A_316 = arith.constant 9 : i32
        %add3A_317 = vector.broadcast %add3A_316 : i32 to vector<16xi32>
        %add3A_318 = arith.addi %mul3A_257, %add3A_317 : vector<16xi32>
        %gather3A_319 = tpu.vector_load_idx %arg5[%add3A_318] : memref<1000xf32, #tpu.memory_space<vmem>>[vector<16xi32>], vector<16xf32>,
        %broadcast_in_dim3A_320 = arith.constant 9 : i32
        %broadcast_in_dim3A_321 = vector.broadcast %broadcast_in_dim3A_320 : i32 to vector<16xi32>
        tpu.vector_store_idx %arg7[%broadcast_in_dim3A_321, %add3A_261], %gather3A_319 : memref<10x2560xf32, #tpu.memory_space<vmem>>[vector<16xi32>, vector<16xi32>], vector<16xf32>,
        %scan3A_322 = arith.constant 0 : i32
        %scan3A_323 = arith.constant 4 : i32
        %scan3A_324 = arith.addi %scan3A_30, %scan3A_323 : i32
        %mul3A_325 = arith.constant 16 : i32
        %mul3A_326 = arith.muli %scan3A_324, %mul3A_325 : i32
        %get3A_327 = arith.index_cast %mul3A_326 : i32 to index
        %get3A_328 = tpu.vector_load %arg6[%get3A_327] {strides = array<i32>} : memref<2560xi32, #tpu.memory_space<vmem>>, vector<16xi32>,
        %mul3A_329 = arith.constant 10 : i32
        %mul3A_330 = vector.broadcast %mul3A_329 : i32 to vector<16xi32>
        %mul3A_331 = arith.muli %get3A_328, %mul3A_330 : vector<16xi32>
        %mul3A_332 = arith.constant 16 : i32
        %mul3A_333 = arith.muli %scan3A_324, %mul3A_332 : i32
        %add3A_334 = vector.broadcast %mul3A_333 : i32 to vector<16xi32>
        %add3A_335 = arith.addi %iota3A, %add3A_334 : vector<16xi32>
        %add3A_336 = arith.constant 0 : i32
        %add3A_337 = vector.broadcast %add3A_336 : i32 to vector<16xi32>
        %add3A_338 = arith.addi %mul3A_331, %add3A_337 : vector<16xi32>
        %gather3A_339 = tpu.vector_load_idx %arg5[%add3A_338] : memref<1000xf32, #tpu.memory_space<vmem>>[vector<16xi32>], vector<16xf32>,
        %broadcast_in_dim3A_340 = arith.constant 0 : i32
        %broadcast_in_dim3A_341 = vector.broadcast %broadcast_in_dim3A_340 : i32 to vector<16xi32>
        tpu.vector_store_idx %arg7[%broadcast_in_dim3A_341, %add3A_335], %gather3A_339 : memref<10x2560xf32, #tpu.memory_space<vmem>>[vector<16xi32>, vector<16xi32>], vector<16xf32>,
        %add3A_342 = arith.constant 1 : i32
        %add3A_343 = vector.broadcast %add3A_342 : i32 to vector<16xi32>
        %add3A_344 = arith.addi %mul3A_331, %add3A_343 : vector<16xi32>
        %gather3A_345 = tpu.vector_load_idx %arg5[%add3A_344] : memref<1000xf32, #tpu.memory_space<vmem>>[vector<16xi32>], vector<16xf32>,
        %broadcast_in_dim3A_346 = arith.constant 1 : i32
        %broadcast_in_dim3A_347 = vector.broadcast %broadcast_in_dim3A_346 : i32 to vector<16xi32>
        tpu.vector_store_idx %arg7[%broadcast_in_dim3A_347, %add3A_335], %gather3A_345 : memref<10x2560xf32, #tpu.memory_space<vmem>>[vector<16xi32>, vector<16xi32>], vector<16xf32>,
        %add3A_348 = arith.constant 2 : i32
        %add3A_349 = vector.broadcast %add3A_348 : i32 to vector<16xi32>
        %add3A_350 = arith.addi %mul3A_331, %add3A_349 : vector<16xi32>
        %gather3A_351 = tpu.vector_load_idx %arg5[%add3A_350] : memref<1000xf32, #tpu.memory_space<vmem>>[vector<16xi32>], vector<16xf32>,
        %broadcast_in_dim3A_352 = arith.constant 2 : i32
        %broadcast_in_dim3A_353 = vector.broadcast %broadcast_in_dim3A_352 : i32 to vector<16xi32>
        tpu.vector_store_idx %arg7[%broadcast_in_dim3A_353, %add3A_335], %gather3A_351 : memref<10x2560xf32, #tpu.memory_space<vmem>>[vector<16xi32>, vector<16xi32>], vector<16xf32>,
        %add3A_354 = arith.constant 3 : i32
        %add3A_355 = vector.broadcast %add3A_354 : i32 to vector<16xi32>
        %add3A_356 = arith.addi %mul3A_331, %add3A_355 : vector<16xi32>
        %gather3A_357 = tpu.vector_load_idx %arg5[%add3A_356] : memref<1000xf32, #tpu.memory_space<vmem>>[vector<16xi32>], vector<16xf32>,
        %broadcast_in_dim3A_358 = arith.constant 3 : i32
        %broadcast_in_dim3A_359 = vector.broadcast %broadcast_in_dim3A_358 : i32 to vector<16xi32>
        tpu.vector_store_idx %arg7[%broadcast_in_dim3A_359, %add3A_335], %gather3A_357 : memref<10x2560xf32, #tpu.memory_space<vmem>>[vector<16xi32>, vector<16xi32>], vector<16xf32>,
        %add3A_360 = arith.constant 4 : i32
        %add3A_361 = vector.broadcast %add3A_360 : i32 to vector<16xi32>
        %add3A_362 = arith.addi %mul3A_331, %add3A_361 : vector<16xi32>
        %gather3A_363 = tpu.vector_load_idx %arg5[%add3A_362] : memref<1000xf32, #tpu.memory_space<vmem>>[vector<16xi32>], vector<16xf32>,
        %broadcast_in_dim3A_364 = arith.constant 4 : i32
        %broadcast_in_dim3A_365 = vector.broadcast %broadcast_in_dim3A_364 : i32 to vector<16xi32>
        tpu.vector_store_idx %arg7[%broadcast_in_dim3A_365, %add3A_335], %gather3A_363 : memref<10x2560xf32, #tpu.memory_space<vmem>>[vector<16xi32>, vector<16xi32>], vector<16xf32>,
        %add3A_366 = arith.constant 5 : i32
        %add3A_367 = vector.broadcast %add3A_366 : i32 to vector<16xi32>
        %add3A_368 = arith.addi %mul3A_331, %add3A_367 : vector<16xi32>
        %gather3A_369 = tpu.vector_load_idx %arg5[%add3A_368] : memref<1000xf32, #tpu.memory_space<vmem>>[vector<16xi32>], vector<16xf32>,
        %broadcast_in_dim3A_370 = arith.constant 5 : i32
        %broadcast_in_dim3A_371 = vector.broadcast %broadcast_in_dim3A_370 : i32 to vector<16xi32>
        tpu.vector_store_idx %arg7[%broadcast_in_dim3A_371, %add3A_335], %gather3A_369 : memref<10x2560xf32, #tpu.memory_space<vmem>>[vector<16xi32>, vector<16xi32>], vector<16xf32>,
        %add3A_372 = arith.constant 6 : i32
        %add3A_373 = vector.broadcast %add3A_372 : i32 to vector<16xi32>
        %add3A_374 = arith.addi %mul3A_331, %add3A_373 : vector<16xi32>
        %gather3A_375 = tpu.vector_load_idx %arg5[%add3A_374] : memref<1000xf32, #tpu.memory_space<vmem>>[vector<16xi32>], vector<16xf32>,
        %broadcast_in_dim3A_376 = arith.constant 6 : i32
        %broadcast_in_dim3A_377 = vector.broadcast %broadcast_in_dim3A_376 : i32 to vector<16xi32>
        tpu.vector_store_idx %arg7[%broadcast_in_dim3A_377, %add3A_335], %gather3A_375 : memref<10x2560xf32, #tpu.memory_space<vmem>>[vector<16xi32>, vector<16xi32>], vector<16xf32>,
        %add3A_378 = arith.constant 7 : i32
        %add3A_379 = vector.broadcast %add3A_378 : i32 to vector<16xi32>
        %add3A_380 = arith.addi %mul3A_331, %add3A_379 : vector<16xi32>
        %gather3A_381 = tpu.vector_load_idx %arg5[%add3A_380] : memref<1000xf32, #tpu.memory_space<vmem>>[vector<16xi32>], vector<16xf32>,
        %broadcast_in_dim3A_382 = arith.constant 7 : i32
        %broadcast_in_dim3A_383 = vector.broadcast %broadcast_in_dim3A_382 : i32 to vector<16xi32>
        tpu.vector_store_idx %arg7[%broadcast_in_dim3A_383, %add3A_335], %gather3A_381 : memref<10x2560xf32, #tpu.memory_space<vmem>>[vector<16xi32>, vector<16xi32>], vector<16xf32>,
        %add3A_384 = arith.constant 8 : i32
        %add3A_385 = vector.broadcast %add3A_384 : i32 to vector<16xi32>
        %add3A_386 = arith.addi %mul3A_331, %add3A_385 : vector<16xi32>
        %gather3A_387 = tpu.vector_load_idx %arg5[%add3A_386] : memref<1000xf32, #tpu.memory_space<vmem>>[vector<16xi32>], vector<16xf32>,
        %broadcast_in_dim3A_388 = arith.constant 8 : i32
        %broadcast_in_dim3A_389 = vector.broadcast %broadcast_in_dim3A_388 : i32 to vector<16xi32>
        tpu.vector_store_idx %arg7[%broadcast_in_dim3A_389, %add3A_335], %gather3A_387 : memref<10x2560xf32, #tpu.memory_space<vmem>>[vector<16xi32>, vector<16xi32>], vector<16xf32>,
        %add3A_390 = arith.constant 9 : i32
        %add3A_391 = vector.broadcast %add3A_390 : i32 to vector<16xi32>
        %add3A_392 = arith.addi %mul3A_331, %add3A_391 : vector<16xi32>
        %gather3A_393 = tpu.vector_load_idx %arg5[%add3A_392] : memref<1000xf32, #tpu.memory_space<vmem>>[vector<16xi32>], vector<16xf32>,
        %broadcast_in_dim3A_394 = arith.constant 9 : i32
        %broadcast_in_dim3A_395 = vector.broadcast %broadcast_in_dim3A_394 : i32 to vector<16xi32>
        tpu.vector_store_idx %arg7[%broadcast_in_dim3A_395, %add3A_335], %gather3A_393 : memref<10x2560xf32, #tpu.memory_space<vmem>>[vector<16xi32>, vector<16xi32>], vector<16xf32>,
        %scan3A_396 = arith.constant 0 : i32
        %scan3A_397 = arith.constant 5 : i32
        %scan3A_398 = arith.addi %scan3A_30, %scan3A_397 : i32
        %mul3A_399 = arith.constant 16 : i32
        %mul3A_400 = arith.muli %scan3A_398, %mul3A_399 : i32
        %get3A_401 = arith.index_cast %mul3A_400 : i32 to index
        %get3A_402 = tpu.vector_load %arg6[%get3A_401] {strides = array<i32>} : memref<2560xi32, #tpu.memory_space<vmem>>, vector<16xi32>,
        %mul3A_403 = arith.constant 10 : i32
        %mul3A_404 = vector.broadcast %mul3A_403 : i32 to vector<16xi32>
        %mul3A_405 = arith.muli %get3A_402, %mul3A_404 : vector<16xi32>
        %mul3A_406 = arith.constant 16 : i32
        %mul3A_407 = arith.muli %scan3A_398, %mul3A_406 : i32
        %add3A_408 = vector.broadcast %mul3A_407 : i32 to vector<16xi32>
        %add3A_409 = arith.addi %iota3A, %add3A_408 : vector<16xi32>
        %add3A_410 = arith.constant 0 : i32
        %add3A_411 = vector.broadcast %add3A_410 : i32 to vector<16xi32>
        %add3A_412 = arith.addi %mul3A_405, %add3A_411 : vector<16xi32>
        %gather3A_413 = tpu.vector_load_idx %arg5[%add3A_412] : memref<1000xf32, #tpu.memory_space<vmem>>[vector<16xi32>], vector<16xf32>,
        %broadcast_in_dim3A_414 = arith.constant 0 : i32
        %broadcast_in_dim3A_415 = vector.broadcast %broadcast_in_dim3A_414 : i32 to vector<16xi32>
        tpu.vector_store_idx %arg7[%broadcast_in_dim3A_415, %add3A_409], %gather3A_413 : memref<10x2560xf32, #tpu.memory_space<vmem>>[vector<16xi32>, vector<16xi32>], vector<16xf32>,
        %add3A_416 = arith.constant 1 : i32
        %add3A_417 = vector.broadcast %add3A_416 : i32 to vector<16xi32>
        %add3A_418 = arith.addi %mul3A_405, %add3A_417 : vector<16xi32>
        %gather3A_419 = tpu.vector_load_idx %arg5[%add3A_418] : memref<1000xf32, #tpu.memory_space<vmem>>[vector<16xi32>], vector<16xf32>,
        %broadcast_in_dim3A_420 = arith.constant 1 : i32
        %broadcast_in_dim3A_421 = vector.broadcast %broadcast_in_dim3A_420 : i32 to vector<16xi32>
        tpu.vector_store_idx %arg7[%broadcast_in_dim3A_421, %add3A_409], %gather3A_419 : memref<10x2560xf32, #tpu.memory_space<vmem>>[vector<16xi32>, vector<16xi32>], vector<16xf32>,
        %add3A_422 = arith.constant 2 : i32
        %add3A_423 = vector.broadcast %add3A_422 : i32 to vector<16xi32>
        %add3A_424 = arith.addi %mul3A_405, %add3A_423 : vector<16xi32>
        %gather3A_425 = tpu.vector_load_idx %arg5[%add3A_424] : memref<1000xf32, #tpu.memory_space<vmem>>[vector<16xi32>], vector<16xf32>,
        %broadcast_in_dim3A_426 = arith.constant 2 : i32
        %broadcast_in_dim3A_427 = vector.broadcast %broadcast_in_dim3A_426 : i32 to vector<16xi32>
        tpu.vector_store_idx %arg7[%broadcast_in_dim3A_427, %add3A_409], %gather3A_425 : memref<10x2560xf32, #tpu.memory_space<vmem>>[vector<16xi32>, vector<16xi32>], vector<16xf32>,
        %add3A_428 = arith.constant 3 : i32
        %add3A_429 = vector.broadcast %add3A_428 : i32 to vector<16xi32>
        %add3A_430 = arith.addi %mul3A_405, %add3A_429 : vector<16xi32>
        %gather3A_431 = tpu.vector_load_idx %arg5[%add3A_430] : memref<1000xf32, #tpu.memory_space<vmem>>[vector<16xi32>], vector<16xf32>,
        %broadcast_in_dim3A_432 = arith.constant 3 : i32
        %broadcast_in_dim3A_433 = vector.broadcast %broadcast_in_dim3A_432 : i32 to vector<16xi32>
        tpu.vector_store_idx %arg7[%broadcast_in_dim3A_433, %add3A_409], %gather3A_431 : memref<10x2560xf32, #tpu.memory_space<vmem>>[vector<16xi32>, vector<16xi32>], vector<16xf32>,
        %add3A_434 = arith.constant 4 : i32
        %add3A_435 = vector.broadcast %add3A_434 : i32 to vector<16xi32>
        %add3A_436 = arith.addi %mul3A_405, %add3A_435 : vector<16xi32>
        %gather3A_437 = tpu.vector_load_idx %arg5[%add3A_436] : memref<1000xf32, #tpu.memory_space<vmem>>[vector<16xi32>], vector<16xf32>,
        %broadcast_in_dim3A_438 = arith.constant 4 : i32
        %broadcast_in_dim3A_439 = vector.broadcast %broadcast_in_dim3A_438 : i32 to vector<16xi32>
        tpu.vector_store_idx %arg7[%broadcast_in_dim3A_439, %add3A_409], %gather3A_437 : memref<10x2560xf32, #tpu.memory_space<vmem>>[vector<16xi32>, vector<16xi32>], vector<16xf32>,
        %add3A_440 = arith.constant 5 : i32
        %add3A_441 = vector.broadcast %add3A_440 : i32 to vector<16xi32>
        %add3A_442 = arith.addi %mul3A_405, %add3A_441 : vector<16xi32>
        %gather3A_443 = tpu.vector_load_idx %arg5[%add3A_442] : memref<1000xf32, #tpu.memory_space<vmem>>[vector<16xi32>], vector<16xf32>,
        %broadcast_in_dim3A_444 = arith.constant 5 : i32
        %broadcast_in_dim3A_445 = vector.broadcast %broadcast_in_dim3A_444 : i32 to vector<16xi32>
        tpu.vector_store_idx %arg7[%broadcast_in_dim3A_445, %add3A_409], %gather3A_443 : memref<10x2560xf32, #tpu.memory_space<vmem>>[vector<16xi32>, vector<16xi32>], vector<16xf32>,
        %add3A_446 = arith.constant 6 : i32
        %add3A_447 = vector.broadcast %add3A_446 : i32 to vector<16xi32>
        %add3A_448 = arith.addi %mul3A_405, %add3A_447 : vector<16xi32>
        %gather3A_449 = tpu.vector_load_idx %arg5[%add3A_448] : memref<1000xf32, #tpu.memory_space<vmem>>[vector<16xi32>], vector<16xf32>,
        %broadcast_in_dim3A_450 = arith.constant 6 : i32
        %broadcast_in_dim3A_451 = vector.broadcast %broadcast_in_dim3A_450 : i32 to vector<16xi32>
        tpu.vector_store_idx %arg7[%broadcast_in_dim3A_451, %add3A_409], %gather3A_449 : memref<10x2560xf32, #tpu.memory_space<vmem>>[vector<16xi32>, vector<16xi32>], vector<16xf32>,
        %add3A_452 = arith.constant 7 : i32
        %add3A_453 = vector.broadcast %add3A_452 : i32 to vector<16xi32>
        %add3A_454 = arith.addi %mul3A_405, %add3A_453 : vector<16xi32>
        %gather3A_455 = tpu.vector_load_idx %arg5[%add3A_454] : memref<1000xf32, #tpu.memory_space<vmem>>[vector<16xi32>], vector<16xf32>,
        %broadcast_in_dim3A_456 = arith.constant 7 : i32
        %broadcast_in_dim3A_457 = vector.broadcast %broadcast_in_dim3A_456 : i32 to vector<16xi32>
        tpu.vector_store_idx %arg7[%broadcast_in_dim3A_457, %add3A_409], %gather3A_455 : memref<10x2560xf32, #tpu.memory_space<vmem>>[vector<16xi32>, vector<16xi32>], vector<16xf32>,
        %add3A_458 = arith.constant 8 : i32
        %add3A_459 = vector.broadcast %add3A_458 : i32 to vector<16xi32>
        %add3A_460 = arith.addi %mul3A_405, %add3A_459 : vector<16xi32>
        %gather3A_461 = tpu.vector_load_idx %arg5[%add3A_460] : memref<1000xf32, #tpu.memory_space<vmem>>[vector<16xi32>], vector<16xf32>,
        %broadcast_in_dim3A_462 = arith.constant 8 : i32
        %broadcast_in_dim3A_463 = vector.broadcast %broadcast_in_dim3A_462 : i32 to vector<16xi32>
        tpu.vector_store_idx %arg7[%broadcast_in_dim3A_463, %add3A_409], %gather3A_461 : memref<10x2560xf32, #tpu.memory_space<vmem>>[vector<16xi32>, vector<16xi32>], vector<16xf32>,
        %add3A_464 = arith.constant 9 : i32
        %add3A_465 = vector.broadcast %add3A_464 : i32 to vector<16xi32>
        %add3A_466 = arith.addi %mul3A_405, %add3A_465 : vector<16xi32>
        %gather3A_467 = tpu.vector_load_idx %arg5[%add3A_466] : memref<1000xf32, #tpu.memory_space<vmem>>[vector<16xi32>], vector<16xf32>,
        %broadcast_in_dim3A_468 = arith.constant 9 : i32
        %broadcast_in_dim3A_469 = vector.broadcast %broadcast_in_dim3A_468 : i32 to vector<16xi32>
        tpu.vector_store_idx %arg7[%broadcast_in_dim3A_469, %add3A_409], %gather3A_467 : memref<10x2560xf32, #tpu.memory_space<vmem>>[vector<16xi32>, vector<16xi32>], vector<16xf32>,
        %scan3A_470 = arith.constant 0 : i32
        %scan3A_471 = arith.constant 6 : i32
        %scan3A_472 = arith.addi %scan3A_30, %scan3A_471 : i32
        %mul3A_473 = arith.constant 16 : i32
        %mul3A_474 = arith.muli %scan3A_472, %mul3A_473 : i32
        %get3A_475 = arith.index_cast %mul3A_474 : i32 to index
        %get3A_476 = tpu.vector_load %arg6[%get3A_475] {strides = array<i32>} : memref<2560xi32, #tpu.memory_space<vmem>>, vector<16xi32>,
        %mul3A_477 = arith.constant 10 : i32
        %mul3A_478 = vector.broadcast %mul3A_477 : i32 to vector<16xi32>
        %mul3A_479 = arith.muli %get3A_476, %mul3A_478 : vector<16xi32>
        %mul3A_480 = arith.constant 16 : i32
        %mul3A_481 = arith.muli %scan3A_472, %mul3A_480 : i32
        %add3A_482 = vector.broadcast %mul3A_481 : i32 to vector<16xi32>
        %add3A_483 = arith.addi %iota3A, %add3A_482 : vector<16xi32>
        %add3A_484 = arith.constant 0 : i32
        %add3A_485 = vector.broadcast %add3A_484 : i32 to vector<16xi32>
        %add3A_486 = arith.addi %mul3A_479, %add3A_485 : vector<16xi32>
        %gather3A_487 = tpu.vector_load_idx %arg5[%add3A_486] : memref<1000xf32, #tpu.memory_space<vmem>>[vector<16xi32>], vector<16xf32>,
        %broadcast_in_dim3A_488 = arith.constant 0 : i32
        %broadcast_in_dim3A_489 = vector.broadcast %broadcast_in_dim3A_488 : i32 to vector<16xi32>
        tpu.vector_store_idx %arg7[%broadcast_in_dim3A_489, %add3A_483], %gather3A_487 : memref<10x2560xf32, #tpu.memory_space<vmem>>[vector<16xi32>, vector<16xi32>], vector<16xf32>,
        %add3A_490 = arith.constant 1 : i32
        %add3A_491 = vector.broadcast %add3A_490 : i32 to vector<16xi32>
        %add3A_492 = arith.addi %mul3A_479, %add3A_491 : vector<16xi32>
        %gather3A_493 = tpu.vector_load_idx %arg5[%add3A_492] : memref<1000xf32, #tpu.memory_space<vmem>>[vector<16xi32>], vector<16xf32>,
        %broadcast_in_dim3A_494 = arith.constant 1 : i32
        %broadcast_in_dim3A_495 = vector.broadcast %broadcast_in_dim3A_494 : i32 to vector<16xi32>
        tpu.vector_store_idx %arg7[%broadcast_in_dim3A_495, %add3A_483], %gather3A_493 : memref<10x2560xf32, #tpu.memory_space<vmem>>[vector<16xi32>, vector<16xi32>], vector<16xf32>,
        %add3A_496 = arith.constant 2 : i32
        %add3A_497 = vector.broadcast %add3A_496 : i32 to vector<16xi32>
        %add3A_498 = arith.addi %mul3A_479, %add3A_497 : vector<16xi32>
        %gather3A_499 = tpu.vector_load_idx %arg5[%add3A_498] : memref<1000xf32, #tpu.memory_space<vmem>>[vector<16xi32>], vector<16xf32>,
        %broadcast_in_dim3A_500 = arith.constant 2 : i32
        %broadcast_in_dim3A_501 = vector.broadcast %broadcast_in_dim3A_500 : i32 to vector<16xi32>
        tpu.vector_store_idx %arg7[%broadcast_in_dim3A_501, %add3A_483], %gather3A_499 : memref<10x2560xf32, #tpu.memory_space<vmem>>[vector<16xi32>, vector<16xi32>], vector<16xf32>,
        %add3A_502 = arith.constant 3 : i32
        %add3A_503 = vector.broadcast %add3A_502 : i32 to vector<16xi32>
        %add3A_504 = arith.addi %mul3A_479, %add3A_503 : vector<16xi32>
        %gather3A_505 = tpu.vector_load_idx %arg5[%add3A_504] : memref<1000xf32, #tpu.memory_space<vmem>>[vector<16xi32>], vector<16xf32>,
        %broadcast_in_dim3A_506 = arith.constant 3 : i32
        %broadcast_in_dim3A_507 = vector.broadcast %broadcast_in_dim3A_506 : i32 to vector<16xi32>
        tpu.vector_store_idx %arg7[%broadcast_in_dim3A_507, %add3A_483], %gather3A_505 : memref<10x2560xf32, #tpu.memory_space<vmem>>[vector<16xi32>, vector<16xi32>], vector<16xf32>,
        %add3A_508 = arith.constant 4 : i32
        %add3A_509 = vector.broadcast %add3A_508 : i32 to vector<16xi32>
        %add3A_510 = arith.addi %mul3A_479, %add3A_509 : vector<16xi32>
        %gather3A_511 = tpu.vector_load_idx %arg5[%add3A_510] : memref<1000xf32, #tpu.memory_space<vmem>>[vector<16xi32>], vector<16xf32>,
        %broadcast_in_dim3A_512 = arith.constant 4 : i32
        %broadcast_in_dim3A_513 = vector.broadcast %broadcast_in_dim3A_512 : i32 to vector<16xi32>
        tpu.vector_store_idx %arg7[%broadcast_in_dim3A_513, %add3A_483], %gather3A_511 : memref<10x2560xf32, #tpu.memory_space<vmem>>[vector<16xi32>, vector<16xi32>], vector<16xf32>,
        %add3A_514 = arith.constant 5 : i32
        %add3A_515 = vector.broadcast %add3A_514 : i32 to vector<16xi32>
        %add3A_516 = arith.addi %mul3A_479, %add3A_515 : vector<16xi32>
        %gather3A_517 = tpu.vector_load_idx %arg5[%add3A_516] : memref<1000xf32, #tpu.memory_space<vmem>>[vector<16xi32>], vector<16xf32>,
        %broadcast_in_dim3A_518 = arith.constant 5 : i32
        %broadcast_in_dim3A_519 = vector.broadcast %broadcast_in_dim3A_518 : i32 to vector<16xi32>
        tpu.vector_store_idx %arg7[%broadcast_in_dim3A_519, %add3A_483], %gather3A_517 : memref<10x2560xf32, #tpu.memory_space<vmem>>[vector<16xi32>, vector<16xi32>], vector<16xf32>,
        %add3A_520 = arith.constant 6 : i32
        %add3A_521 = vector.broadcast %add3A_520 : i32 to vector<16xi32>
        %add3A_522 = arith.addi %mul3A_479, %add3A_521 : vector<16xi32>
        %gather3A_523 = tpu.vector_load_idx %arg5[%add3A_522] : memref<1000xf32, #tpu.memory_space<vmem>>[vector<16xi32>], vector<16xf32>,
        %broadcast_in_dim3A_524 = arith.constant 6 : i32
        %broadcast_in_dim3A_525 = vector.broadcast %broadcast_in_dim3A_524 : i32 to vector<16xi32>
        tpu.vector_store_idx %arg7[%broadcast_in_dim3A_525, %add3A_483], %gather3A_523 : memref<10x2560xf32, #tpu.memory_space<vmem>>[vector<16xi32>, vector<16xi32>], vector<16xf32>,
        %add3A_526 = arith.constant 7 : i32
        %add3A_527 = vector.broadcast %add3A_526 : i32 to vector<16xi32>
        %add3A_528 = arith.addi %mul3A_479, %add3A_527 : vector<16xi32>
        %gather3A_529 = tpu.vector_load_idx %arg5[%add3A_528] : memref<1000xf32, #tpu.memory_space<vmem>>[vector<16xi32>], vector<16xf32>,
        %broadcast_in_dim3A_530 = arith.constant 7 : i32
        %broadcast_in_dim3A_531 = vector.broadcast %broadcast_in_dim3A_530 : i32 to vector<16xi32>
        tpu.vector_store_idx %arg7[%broadcast_in_dim3A_531, %add3A_483], %gather3A_529 : memref<10x2560xf32, #tpu.memory_space<vmem>>[vector<16xi32>, vector<16xi32>], vector<16xf32>,
        %add3A_532 = arith.constant 8 : i32
        %add3A_533 = vector.broadcast %add3A_532 : i32 to vector<16xi32>
        %add3A_534 = arith.addi %mul3A_479, %add3A_533 : vector<16xi32>
        %gather3A_535 = tpu.vector_load_idx %arg5[%add3A_534] : memref<1000xf32, #tpu.memory_space<vmem>>[vector<16xi32>], vector<16xf32>,
        %broadcast_in_dim3A_536 = arith.constant 8 : i32
        %broadcast_in_dim3A_537 = vector.broadcast %broadcast_in_dim3A_536 : i32 to vector<16xi32>
        tpu.vector_store_idx %arg7[%broadcast_in_dim3A_537, %add3A_483], %gather3A_535 : memref<10x2560xf32, #tpu.memory_space<vmem>>[vector<16xi32>, vector<16xi32>], vector<16xf32>,
        %add3A_538 = arith.constant 9 : i32
        %add3A_539 = vector.broadcast %add3A_538 : i32 to vector<16xi32>
        %add3A_540 = arith.addi %mul3A_479, %add3A_539 : vector<16xi32>
        %gather3A_541 = tpu.vector_load_idx %arg5[%add3A_540] : memref<1000xf32, #tpu.memory_space<vmem>>[vector<16xi32>], vector<16xf32>,
        %broadcast_in_dim3A_542 = arith.constant 9 : i32
        %broadcast_in_dim3A_543 = vector.broadcast %broadcast_in_dim3A_542 : i32 to vector<16xi32>
        tpu.vector_store_idx %arg7[%broadcast_in_dim3A_543, %add3A_483], %gather3A_541 : memref<10x2560xf32, #tpu.memory_space<vmem>>[vector<16xi32>, vector<16xi32>], vector<16xf32>,
        %scan3A_544 = arith.constant 0 : i32
        %scan3A_545 = arith.constant 7 : i32
        %scan3A_546 = arith.addi %scan3A_30, %scan3A_545 : i32
        %mul3A_547 = arith.constant 16 : i32
        %mul3A_548 = arith.muli %scan3A_546, %mul3A_547 : i32
        %get3A_549 = arith.index_cast %mul3A_548 : i32 to index
        %get3A_550 = tpu.vector_load %arg6[%get3A_549] {strides = array<i32>} : memref<2560xi32, #tpu.memory_space<vmem>>, vector<16xi32>,
        %mul3A_551 = arith.constant 10 : i32
        %mul3A_552 = vector.broadcast %mul3A_551 : i32 to vector<16xi32>
        %mul3A_553 = arith.muli %get3A_550, %mul3A_552 : vector<16xi32>
        %mul3A_554 = arith.constant 16 : i32
        %mul3A_555 = arith.muli %scan3A_546, %mul3A_554 : i32
        %add3A_556 = vector.broadcast %mul3A_555 : i32 to vector<16xi32>
        %add3A_557 = arith.addi %iota3A, %add3A_556 : vector<16xi32>
        %add3A_558 = arith.constant 0 : i32
        %add3A_559 = vector.broadcast %add3A_558 : i32 to vector<16xi32>
        %add3A_560 = arith.addi %mul3A_553, %add3A_559 : vector<16xi32>
        %gather3A_561 = tpu.vector_load_idx %arg5[%add3A_560] : memref<1000xf32, #tpu.memory_space<vmem>>[vector<16xi32>], vector<16xf32>,
        %broadcast_in_dim3A_562 = arith.constant 0 : i32
        %broadcast_in_dim3A_563 = vector.broadcast %broadcast_in_dim3A_562 : i32 to vector<16xi32>
        tpu.vector_store_idx %arg7[%broadcast_in_dim3A_563, %add3A_557], %gather3A_561 : memref<10x2560xf32, #tpu.memory_space<vmem>>[vector<16xi32>, vector<16xi32>], vector<16xf32>,
        %add3A_564 = arith.constant 1 : i32
        %add3A_565 = vector.broadcast %add3A_564 : i32 to vector<16xi32>
        %add3A_566 = arith.addi %mul3A_553, %add3A_565 : vector<16xi32>
        %gather3A_567 = tpu.vector_load_idx %arg5[%add3A_566] : memref<1000xf32, #tpu.memory_space<vmem>>[vector<16xi32>], vector<16xf32>,
        %broadcast_in_dim3A_568 = arith.constant 1 : i32
        %broadcast_in_dim3A_569 = vector.broadcast %broadcast_in_dim3A_568 : i32 to vector<16xi32>
        tpu.vector_store_idx %arg7[%broadcast_in_dim3A_569, %add3A_557], %gather3A_567 : memref<10x2560xf32, #tpu.memory_space<vmem>>[vector<16xi32>, vector<16xi32>], vector<16xf32>,
        %add3A_570 = arith.constant 2 : i32
        %add3A_571 = vector.broadcast %add3A_570 : i32 to vector<16xi32>
        %add3A_572 = arith.addi %mul3A_553, %add3A_571 : vector<16xi32>
        %gather3A_573 = tpu.vector_load_idx %arg5[%add3A_572] : memref<1000xf32, #tpu.memory_space<vmem>>[vector<16xi32>], vector<16xf32>,
        %broadcast_in_dim3A_574 = arith.constant 2 : i32
        %broadcast_in_dim3A_575 = vector.broadcast %broadcast_in_dim3A_574 : i32 to vector<16xi32>
        tpu.vector_store_idx %arg7[%broadcast_in_dim3A_575, %add3A_557], %gather3A_573 : memref<10x2560xf32, #tpu.memory_space<vmem>>[vector<16xi32>, vector<16xi32>], vector<16xf32>,
        %add3A_576 = arith.constant 3 : i32
        %add3A_577 = vector.broadcast %add3A_576 : i32 to vector<16xi32>
        %add3A_578 = arith.addi %mul3A_553, %add3A_577 : vector<16xi32>
        %gather3A_579 = tpu.vector_load_idx %arg5[%add3A_578] : memref<1000xf32, #tpu.memory_space<vmem>>[vector<16xi32>], vector<16xf32>,
        %broadcast_in_dim3A_580 = arith.constant 3 : i32
        %broadcast_in_dim3A_581 = vector.broadcast %broadcast_in_dim3A_580 : i32 to vector<16xi32>
        tpu.vector_store_idx %arg7[%broadcast_in_dim3A_581, %add3A_557], %gather3A_579 : memref<10x2560xf32, #tpu.memory_space<vmem>>[vector<16xi32>, vector<16xi32>], vector<16xf32>,
        %add3A_582 = arith.constant 4 : i32
        %add3A_583 = vector.broadcast %add3A_582 : i32 to vector<16xi32>
        %add3A_584 = arith.addi %mul3A_553, %add3A_583 : vector<16xi32>
        %gather3A_585 = tpu.vector_load_idx %arg5[%add3A_584] : memref<1000xf32, #tpu.memory_space<vmem>>[vector<16xi32>], vector<16xf32>,
        %broadcast_in_dim3A_586 = arith.constant 4 : i32
        %broadcast_in_dim3A_587 = vector.broadcast %broadcast_in_dim3A_586 : i32 to vector<16xi32>
        tpu.vector_store_idx %arg7[%broadcast_in_dim3A_587, %add3A_557], %gather3A_585 : memref<10x2560xf32, #tpu.memory_space<vmem>>[vector<16xi32>, vector<16xi32>], vector<16xf32>,
        %add3A_588 = arith.constant 5 : i32
        %add3A_589 = vector.broadcast %add3A_588 : i32 to vector<16xi32>
        %add3A_590 = arith.addi %mul3A_553, %add3A_589 : vector<16xi32>
        %gather3A_591 = tpu.vector_load_idx %arg5[%add3A_590] : memref<1000xf32, #tpu.memory_space<vmem>>[vector<16xi32>], vector<16xf32>,
        %broadcast_in_dim3A_592 = arith.constant 5 : i32
        %broadcast_in_dim3A_593 = vector.broadcast %broadcast_in_dim3A_592 : i32 to vector<16xi32>
        tpu.vector_store_idx %arg7[%broadcast_in_dim3A_593, %add3A_557], %gather3A_591 : memref<10x2560xf32, #tpu.memory_space<vmem>>[vector<16xi32>, vector<16xi32>], vector<16xf32>,
        %add3A_594 = arith.constant 6 : i32
        %add3A_595 = vector.broadcast %add3A_594 : i32 to vector<16xi32>
        %add3A_596 = arith.addi %mul3A_553, %add3A_595 : vector<16xi32>
        %gather3A_597 = tpu.vector_load_idx %arg5[%add3A_596] : memref<1000xf32, #tpu.memory_space<vmem>>[vector<16xi32>], vector<16xf32>,
        %broadcast_in_dim3A_598 = arith.constant 6 : i32
        %broadcast_in_dim3A_599 = vector.broadcast %broadcast_in_dim3A_598 : i32 to vector<16xi32>
        tpu.vector_store_idx %arg7[%broadcast_in_dim3A_599, %add3A_557], %gather3A_597 : memref<10x2560xf32, #tpu.memory_space<vmem>>[vector<16xi32>, vector<16xi32>], vector<16xf32>,
        %add3A_600 = arith.constant 7 : i32
        %add3A_601 = vector.broadcast %add3A_600 : i32 to vector<16xi32>
        %add3A_602 = arith.addi %mul3A_553, %add3A_601 : vector<16xi32>
        %gather3A_603 = tpu.vector_load_idx %arg5[%add3A_602] : memref<1000xf32, #tpu.memory_space<vmem>>[vector<16xi32>], vector<16xf32>,
        %broadcast_in_dim3A_604 = arith.constant 7 : i32
        %broadcast_in_dim3A_605 = vector.broadcast %broadcast_in_dim3A_604 : i32 to vector<16xi32>
        tpu.vector_store_idx %arg7[%broadcast_in_dim3A_605, %add3A_557], %gather3A_603 : memref<10x2560xf32, #tpu.memory_space<vmem>>[vector<16xi32>, vector<16xi32>], vector<16xf32>,
        %add3A_606 = arith.constant 8 : i32
        %add3A_607 = vector.broadcast %add3A_606 : i32 to vector<16xi32>
        %add3A_608 = arith.addi %mul3A_553, %add3A_607 : vector<16xi32>
        %gather3A_609 = tpu.vector_load_idx %arg5[%add3A_608] : memref<1000xf32, #tpu.memory_space<vmem>>[vector<16xi32>], vector<16xf32>,
        %broadcast_in_dim3A_610 = arith.constant 8 : i32
        %broadcast_in_dim3A_611 = vector.broadcast %broadcast_in_dim3A_610 : i32 to vector<16xi32>
        tpu.vector_store_idx %arg7[%broadcast_in_dim3A_611, %add3A_557], %gather3A_609 : memref<10x2560xf32, #tpu.memory_space<vmem>>[vector<16xi32>, vector<16xi32>], vector<16xf32>,
        %add3A_612 = arith.constant 9 : i32
        %add3A_613 = vector.broadcast %add3A_612 : i32 to vector<16xi32>
        %add3A_614 = arith.addi %mul3A_553, %add3A_613 : vector<16xi32>
        %gather3A_615 = tpu.vector_load_idx %arg5[%add3A_614] : memref<1000xf32, #tpu.memory_space<vmem>>[vector<16xi32>], vector<16xf32>,
        %broadcast_in_dim3A_616 = arith.constant 9 : i32
        %broadcast_in_dim3A_617 = vector.broadcast %broadcast_in_dim3A_616 : i32 to vector<16xi32>
        tpu.vector_store_idx %arg7[%broadcast_in_dim3A_617, %add3A_557], %gather3A_615 : memref<10x2560xf32, #tpu.memory_space<vmem>>[vector<16xi32>, vector<16xi32>], vector<16xf32>,
        %scan3A_618 = arith.constant 0 : i32
        scf.yield %scan3A_618 : i32
      }
      %scan3A_28 = arith.constant 160 : i32
      "tpu.region"() ({
        %run_scoped3A = tpu.sem_alloc : memref<!tpu.dma_semaphore, #tpu.memory_space<semaphore_mem>>
        %dma_start3A = arith.constant 0 : i32
        %dma_start3A_30 = tpu.memref_slice %arg4[%dma_start3A, %multiple_of3A] : memref<10x6400000xf32, #tpu.memory_space<hbm>> -> memref<10x2560xf32, #tpu.memory_space<hbm>>
        %dma_start3A_31 = arith.constant 0 : i32
        %dma_start3A_32 = tpu.memref_slice %arg4[%dma_start3A_31, %multiple_of3A] : memref<10x6400000xf32, #tpu.memory_space<hbm>> -> memref<10x2560xf32, #tpu.memory_space<hbm>>
        tpu.enqueue_dma source(%arg7 : memref<10x2560xf32, #tpu.memory_space<vmem>>) target(%dma_start3A_32 : memref<10x2560xf32, #tpu.memory_space<hbm>>) target_semaphore(%run_scoped3A : memref<!tpu.dma_semaphore, #tpu.memory_space<semaphore_mem>>)
        %dma_wait3A = arith.constant 0 : i32
        %dma_wait3A_33 = tpu.memref_slice %arg4[%dma_wait3A, %multiple_of3A] : memref<10x6400000xf32, #tpu.memory_space<hbm>> -> memref<10x2560xf32, #tpu.memory_space<hbm>>
        %dma_wait3A_34 = arith.constant 0 : i32
        %dma_wait3A_35 = tpu.memref_slice %arg4[%dma_wait3A_34, %multiple_of3A] : memref<10x6400000xf32, #tpu.memory_space<hbm>> -> memref<10x2560xf32, #tpu.memory_space<hbm>>
        tpu.wait_dma2 semaphore(%run_scoped3A : memref<!tpu.dma_semaphore, #tpu.memory_space<semaphore_mem>>) src(%arg7 : memref<10x2560xf32, #tpu.memory_space<vmem>>) dst(%dma_wait3A_35 : memref<10x2560xf32, #tpu.memory_space<hbm>>)
        tpu.yield
      }) : () -> ()
      %while3A_29 = arith.constant 0 : i32
      scf.yield %while3A_29 : i32
    }
    return
  }
}

</mosaic_0001>

<sc_bundles>
// kernel: kernel.3.cloned.1.call-start
scs
__scs_entry_jumppad:
0x0: {  	(pc) =	sbr.rel $0x88, $3  }
0x1: {  	(tag) =	ssettag $0x0;
	lr =	simm.s32 $0x1  }
0x2: {  	[smem:$0x3F9F] =	sst lr;
	_ =	strace $0xD0000000  }
0x3: {  	_ = 	snop  }
0x4: {  	_ = 	snop  }
0x5: {  	_ = 	snop  }
0x6: {  	_ = 	snop  }
0x7: {  	_ = 	snop  }
__scs_overlays_trampoline_lowered:
0x8: {  	[smem:$0x3FAE] =	sst s0  }
0x9: {  	[smem:$0x3FAF] =	sst s1  }
0xa: {  	[smem:$0x3FB0] =	sst s2  }
0xb: {  	[smem:$0x3FB1] =	sst s3  }
0xc: {  	[smem:$0x3FB2] =	sst s4  }
0xd: {  	[smem:$0x3FB3] =	sst s5  }
0xe: {  	[smem:$0x3FB4] =	sst s6  }
0xf: {  	[smem:$0x3FB5] =	sst s7  }
0x10: {  	[smem:$0x3FB6] =	sst s8  }
0x11: {  	[smem:$0x3FB7] =	sst s9;
	s0 =	simm.s32 @!p0 $0x0  }
0x12: {  	s1 =	sld [smem:$0x3F9D];
	s0 =	simm.s32 @p0 $0x1  }
0x13: {  	[smem:$0x3FB8] =	sst s0;
	s0 =	simm.s32 @!p1 $0x0  }
0x14: {  	s2 =	sld [smem:$0x3F9C];
	s0 =	simm.s32 @p1 $0x1  }
0x15: {  	[smem:$0x3FB9] =	sst s0;
	s0 =	simm.s32 @!p2 $0x0  }
0x16: {  	s3 =	sld [smem:$0x3FDB];
	s0 =	simm.s32 @p2 $0x1  }
0x17: {  	s4 =	simm.s32 $0x1BF5;
	[smem:$0x3FBB] =	sst s0  }
0x18: {  	s0 =	sld [smem:$0x3F9E];
	_ =	swait.ge [sflag:s4], $0x0  }
0x19: {  	s7 =	sld [smem:$0x3F9F]  }
0x1a: {  	s8 =	sadd.s32 $0xFFFFE003, lr  }
0x1b: {  	s9 =	sadd.s32 $0xFFFFFEF7, lr;
	s5 =	simm.s32 $0xFFFFFFFF;
	p2 =	slt.u32 s8, $0xFFFFF086  }
0x1c: {  	p1 =	slt.u32 s9, $0xF7A;
	s5 =	simm.s32 @!p2 $0x0  }
0x1d: {  	s5 =	simm.s32 @p1 $0x1;
	p0 =	seq.s32 s7, s2  }
0x1e: {  	s7 =	smul.u32 @!p0 $0xF7A, s2;
	p2 =	seq.s32 @!p0 s5, $0x0  }
0x1f: {  	s9 =	smul.u32 $0xF7A, s1;
	s8 =	simm.s32 @!p0 $0x1BF5;
	p2 =	por !p2, p0  }
0x20: {  	[sflag:s8] =	ssyncset.s32 @!p0 $0xFFFFF086;
	s6 =	sadd.s32 @!p0 s3, s7;
	s7 =	simm.s32 @!p0 $0x108  }
0x21: {  	s3 =	sadd.s32 s3, s9;
	s6 =	sadd.s32 @!p0 $0x88, s6;
	s7 =	simm.s32 @p2 $0x1082  }
0x22: {  	[simem:s7], [sflag:s8] =	dma.local @!p0 [hbm:s6], $0xF7A  }
0x23: {  	s9 =	sor.u32 $0xD0000000, s2;
	s6 =	simm.s32 $0x108;
	_ =	swait.ge @!p0 [sflag:s8], $0x0  }
0x24: {  	s3 =	sadd.s32 $0x88, s3;
	s6 =	simm.s32 @!p1 $0x1082;
	[sflag:s4] =	ssyncset.s32 $0xFFFFF086  }
0x25: {  	[simem:s6], [sflag:s4] =	dma.local [hbm:s3], $0xF7A  }
0x26: {  	[smem:$0x3F9F] =	sst s1;
	(tag) =	ssettag s2;
	_ =	strace s9  }
0x27: {  	s1 =	sld [smem:$0x3FAF]  }
0x28: {  	s2 =	sld [smem:$0x3FB0]  }
0x29: {  	s4 =	sld [smem:$0x3FB2]  }
0x2a: {  	p0 =	seq.s32 s5, $0x0;
	s5 =	sld [smem:$0x3FB3]  }
0x2b: {  	s6 =	sld [smem:$0x3FB4]  }
0x2c: {  	s7 =	sld [smem:$0x3FB5]  }
0x2d: {  	s3 =	simm.s32 $0x108;
	s8 =	sld [smem:$0x3FB6]  }
0x2e: {  	s3 =	simm.s32 @!p0 $0x1082;
	s9 =	sld [smem:$0x3FB7]  }
0x2f: {  	lr =	sadd.s32 s0, s3;
	s0 =	sld [smem:$0x3FAE]  }
0x30: {  	s3 =	sld [smem:$0x3FB1]  }
0x31: {  	[smem:$0x3FBA] =	sst s10  }
0x32: {  	s10 =	sld [smem:$0x3FB8];
	_ =	sdelay $0x3  }
0x33: {  	p0 =	seq.s32 s10, $0x1;
	s10 =	sld [smem:$0x3FBA];
	_ =	sdelay $0x3  }
0x34: {  	[smem:$0x3FBA] =	sst s10  }
0x35: {  	s10 =	sld [smem:$0x3FB9];
	_ =	sdelay $0x3  }
0x36: {  	p1 =	seq.s32 s10, $0x1;
	s10 =	sld [smem:$0x3FBA];
	_ =	sdelay $0x3  }
0x37: {  	[smem:$0x3FBA] =	sst s10  }
0x38: {  	s10 =	sld [smem:$0x3FBB]  }
0x39: {  	_ = 	snop;
	(pc) =	sbr.ind lr, $3  }
0x3a: {  	_ = 	snop  }
0x3b: {  	_ = 	snop  }
0x3c: {  	p2 =	seq.s32 s10, $0x1;
	s10 =	sld [smem:$0x3FBA]  }
0x3d: {  	_ =	shalt  }
0x3e: {  	_ =	shalt  }
0x3f: {  	_ =	shalt  }
0x40: {  	_ =	shalt  }
0x41: {  	_ =	shalt  }
0x42: {  	_ =	shalt  }
0x43: {  	_ =	shalt  }
0x44: {  	_ =	shalt  }
0x45: {  	_ =	shalt  }
0x46: {  	_ =	shalt  }
0x47: {  	_ =	shalt  }
0x48: {  	_ =	shalt  }
0x49: {  	_ =	shalt  }
0x4a: {  	_ =	shalt  }
0x4b: {  	_ =	shalt  }
0x4c: {  	_ =	shalt  }
0x4d: {  	_ =	shalt  }
0x4e: {  	_ =	shalt  }
0x4f: {  	_ =	shalt  }
0x50: {  	_ =	shalt  }
0x51: {  	_ =	shalt  }
0x52: {  	_ =	shalt  }
0x53: {  	_ =	shalt  }
0x54: {  	_ =	shalt  }
0x55: {  	_ =	shalt  }
0x56: {  	_ =	shalt  }
0x57: {  	_ =	shalt  }
0x58: {  	_ =	shalt  }
0x59: {  	_ =	shalt  }
0x5a: {  	_ =	shalt  }
0x5b: {  	_ =	shalt  }
0x5c: {  	_ =	shalt  }
0x5d: {  	_ =	shalt  }
0x5e: {  	_ =	shalt  }
0x5f: {  	_ =	shalt  }
0x60: {  	_ =	shalt  }
0x61: {  	_ =	shalt  }
0x62: {  	_ =	shalt  }
0x63: {  	_ =	shalt  }
0x64: {  	_ =	shalt  }
0x65: {  	_ =	shalt  }
0x66: {  	_ =	shalt  }
0x67: {  	_ =	shalt  }
0x68: {  	_ =	shalt  }
0x69: {  	_ =	shalt  }
0x6a: {  	_ =	shalt  }
0x6b: {  	_ =	shalt  }
0x6c: {  	_ =	shalt  }
0x6d: {  	_ =	shalt  }
0x6e: {  	_ =	shalt  }
0x6f: {  	_ =	shalt  }
0x70: {  	_ =	shalt  }
0x71: {  	_ =	shalt  }
0x72: {  	_ =	shalt  }
0x73: {  	_ =	shalt  }
0x74: {  	_ =	shalt  }
0x75: {  	_ =	shalt  }
0x76: {  	_ =	shalt  }
0x77: {  	_ =	shalt  }
0x78: {  	_ =	shalt  }
0x79: {  	_ =	shalt  }
0x7a: {  	_ =	shalt  }
0x7b: {  	_ =	shalt  }
0x7c: {  	_ =	shalt  }
0x7d: {  	_ =	shalt  }
0x7e: {  	_ =	shalt  }
0x7f: {  	_ =	shalt  }
0x80: {  	_ =	shalt  }
0x81: {  	_ =	shalt  }
0x82: {  	_ =	shalt  }
0x83: {  	_ =	shalt  }
0x84: {  	_ =	shalt  }
0x85: {  	_ =	shalt  }
0x86: {  	_ =	shalt  }
0x87: {  	_ =	shalt  }
.Lfunc_end0:
.L_simem_size_0:
called_computation_lowered:
.L_overlay_start_0:
0x88: {  	s2 =	sld [smem:$0x3FD9]  }
0x89: {  	s3 =	sld [smem:$0x3FFE];
	_ =	sdelay $0x1  }
0x8a: {  	s1 =	srdreg.scid  }
0x8b: {  	s0 =	sand.u32 $0x1, s1  }
0x8c: {  	s17 =	sshll.u32 s0, $0xA;
	s2 =	sadd.s32 s3, s2  }
0x8d: {  	s2 =	sadd.s32 s2, s17  }
0x8e: {  	[smem:$0x3FC6] =	sst s2  }
0x8f: {  	_ = 	snop  }
0x90: {  	s2 =	sld [smem:$0x3FC9]  }
0x91: {  	s18 =	sld [smem:$0x3FD0];
	(tm) =	ssettm $0x1  }
0x92: {  	s4 =	sld [smem:$0x3FFB];
	_ =	sdelay $0x3  }
0x93: {  	_ =	strace s4  }
0x94: {  	s4 =	sld [smem:$0x3FFC];
	_ =	sdelay $0x3  }
0x95: {  	_ =	strace s4  }
0x96: {  	s4 =	sld [smem:$0x3FFD];
	_ =	sdelay $0x3  }
0x97: {  	_ =	strace s4  }
0x98: {  	_ =	strace $0x8FFFFFFF  }
0x99: {  	s19 =	sld [smem:$0x3FDB];
	_ =	sdelay $0x1  }
0x9a: {  	s5 =	simm.s32 $_scs_section_size  }
0x9b: {  	s6 =	simm.s32 $_size__tile_overlayer_lowered;
	s7 =	simm.s32 $_tile_overlayer_lowered  }
0x9c: {  	s22 =	simm.s32 $0x1BFF;
	s21 =	sshll.u32 s7, $0x1;
	s4 =	sadd.s32 s5, s19  }
0x9d: {  	s8 =	simm.s32 $0x0;
	s20 =	sshll.u32 s6, $0x1;
	s6 =	sadd.s32 s21, s4  }
0x9e: {  	[timem:s8], [sflag:s22] =	dma.local [hbm:s6], s20  }
0x9f: {  	_ =	swait.ge [sflag:s22], s20  }
0xa0: {  	s5 =	ssub.s32 $0x0, s20;
	[sflag:s22] =	ssyncset.done $0x0  }
0xa1: {  	[sflag:s22] =	ssyncadd.s32 s5;
	_ =	sdelay $0x1  }
0xa2: {  	s23 =	simm.s32 $0x1B8B  }
0xa3: {  	_ =	swait.ge [sflag:s23], $0x1  }
0xa4: {  	[sflag:s23] =	ssyncset.done $0x0  }
0xa5: {  	s25 =	simm.s32 $0x1B8E;
	s24 =	sld [smem:$0x3FFE];
	[sflag:s23] =	ssyncadd.s32 $0xFFFFFFFF  }
0xa6: {  	s26 =	simm.s32 $execute0_lowered;
	[smem:$0x3FD2] =	sst s25  }
0xa7: {  	s6 =	sshll.u32 s26, $0x1;
	_ =	strace $0x80000046;
	[dreg:$0x1] =	wrdreg $0xFFFFFFFF  }
0xa8: {  	s28 =	simm.s32 $_size_execute0_lowered;
	s4 =	sadd.s32 s4, s6;
	[dreg:$0x0] =	wrdreg $0x0  }
0xa9: {  	s6 =	sshll.u32 s28, $0x1;
	[dreg:$0x2] =	wrdreg s4  }
0xaa: {  	[dreg:$0x3] =	wrdreg s6  }
0xab: {  	[dreg:$0x4] =	wrdreg $0xC0  }
0xac: {  	_ =	task [dreg:s8], $0x5FFFF  }
0xad: {  	[dreg:$0x1] =	wrdreg $0xFFFFFFFF  }
0xae: {  	[dreg:$0x0] =	wrdreg $0x60  }
0xaf: {  	[dreg:$0x2] =	wrdreg s2  }
0xb0: {  	[dreg:$0x3] =	wrdreg s24  }
0xb1: {  	[dreg:$0x4] =	wrdreg s18  }
0xb2: {  	[dreg:$0x5] =	wrdreg $0x9  }
0xb3: {  	_ =	task.clear_ibuf [dreg:s8], $0x6FFFF;
	_ =	strace $0x90000046  }
0xb4: {  	s29 =	simm.s32 $0x9;
	_ =	strace $0x80000048  }
0xb5: {  	_ =	swait.ge [sflag:s29], $0x1  }
0xb6: {  	[sflag:s29] =	ssyncadd.s32 $0xFFFFFFFF  }
0xb7: {  	_ =	strace $0x90000048  }
0xb8: {  	_ =	sfence  }
0xb9: {  	s30 =	sld [smem:$0x0];
	_ =	sdelay $0x2  }
0xba: {  	s31 =	sshll.u32 s1, $0xD;
	s1 =	sshrl.u32 s1, $0x2  }
0xbb: {  	s3 =	sand.u32 $0x4000, s31;
	s1 =	sadd.s32 s1, s30  }
0xbc: {  	s0 =	sor.u32 s3, s0;
	s1 =	sshll.u32 s1, $0x11  }
0xbd: {  	s0 =	sor.u32 s1, s0  }
0xbe: {  	s0 =	sadd.s32 $0x8F2B, s0  }
0xbf: {  	[sflag:s0] =	ssyncadd.remote.s32 $0x1  }
0xc0: {  	_ =	sfence.sel $0xFFFF  }
0xc1: {  	[dreg:$0x0] =	wrdreg $0xFFFFFFFF;
	(pc) =	sbr.abs _section_cstart, $3  }
0xc2: {  	[dreg:$0x1] =	wrdreg $0xFFFFFFFF  }
0xc3: {  	_ =	task.clear_ibuf [dreg:s8], $0x2FFFF;
	_ =	strace $0x9FFFFFFF  }
0xc4: {  	(tm) =	ssettm $0x7FFFFFFF  }
0xc5: {  	_ =	shalt  }
tec
execute0_lowered:
.L_overlay_start_1:
0x0: {  	(tag) =	ssettag $0x1  }
0x1: {  	v0 =	vlaneseq.u32  }
0x2: {  	v1 =	vor.u32 $0x80, v0  }
0x3: {  	[tilespmem:$0x1FC10] =	vst v1;
	v1 =	vor.u32 $0x100, v0  }
0x4: {  	[tilespmem:$0x1FC20] =	vst v1;
	v1 =	vor.u32 $0x180, v0  }
0x5: {  	[tilespmem:$0x1FC30] =	vst v1;
	v1 =	vor.u32 $0x200, v0  }
0x6: {  	[tilespmem:$0x1FC40] =	vst v1;
	v1 =	vor.u32 $0x280, v0  }
0x7: {  	[tilespmem:$0x1FC50] =	vst v1;
	v1 =	vor.u32 $0x300, v0  }
0x8: {  	[tilespmem:$0x1FC60] =	vst v1;
	v1 =	vor.u32 $0x380, v0  }
0x9: {  	[tilespmem:$0x1FC70] =	vst v1;
	v1 =	vor.u32 $0x5000, v0  }
0xa: {  	[tilespmem:$0x1FC80] =	vst v1;
	v1 =	vor.u32 $0x5080, v0  }
0xb: {  	[tilespmem:$0x1FC90] =	vst v1;
	v1 =	vor.u32 $0x10, v0  }
0xc: {  	[tilespmem:$0x1FCA0] =	vst v1;
	v1 =	vor.u32 $0x90, v0  }
0xd: {  	[tilespmem:$0x1FCB0] =	vst v1;
	v1 =	vor.u32 $0x110, v0  }
0xe: {  	[tilespmem:$0x1FCC0] =	vst v1;
	v1 =	vor.u32 $0x190, v0  }
0xf: {  	[tilespmem:$0x1FCD0] =	vst v1;
	v1 =	vor.u32 $0x210, v0  }
0x10: {  	[tilespmem:$0x1FCE0] =	vst v1;
	v1 =	vor.u32 $0x290, v0  }
0x11: {  	[tilespmem:$0x1FCF0] =	vst v1;
	v1 =	vor.u32 $0x310, v0  }
0x12: {  	[tilespmem:$0x1FD00] =	vst v1;
	v1 =	vor.u32 $0x390, v0  }
0x13: {  	[tilespmem:$0x1FD10] =	vst v1;
	v1 =	vor.u32 $0x5010, v0  }
0x14: {  	[tilespmem:$0x1FD20] =	vst v1;
	v1 =	vor.u32 $0x5090, v0  }
0x15: {  	[tilespmem:$0x1FD30] =	vst v1;
	v1 =	vor.u32 $0x20, v0  }
0x16: {  	[tilespmem:$0x1FD40] =	vst v1;
	v1 =	vor.u32 $0xA0, v0  }
0x17: {  	[tilespmem:$0x1FD50] =	vst v1;
	v1 =	vor.u32 $0x120, v0  }
0x18: {  	[tilespmem:$0x1FD60] =	vst v1;
	v1 =	vor.u32 $0x1A0, v0  }
0x19: {  	[tilespmem:$0x1FD70] =	vst v1;
	v1 =	vor.u32 $0x220, v0  }
0x1a: {  	[tilespmem:$0x1FD80] =	vst v1;
	v1 =	vor.u32 $0x2A0, v0  }
0x1b: {  	[tilespmem:$0x1FD90] =	vst v1;
	v1 =	vor.u32 $0x320, v0  }
0x1c: {  	[tilespmem:$0x1FDA0] =	vst v1;
	v1 =	vor.u32 $0x3A0, v0  }
0x1d: {  	[tilespmem:$0x1FDB0] =	vst v1;
	v1 =	vor.u32 $0x5020, v0  }
0x1e: {  	[tilespmem:$0x1FDC0] =	vst v1;
	v1 =	vor.u32 $0x50A0, v0  }
0x1f: {  	[tilespmem:$0x1FDD0] =	vst v1;
	v1 =	vor.u32 $0x30, v0  }
0x20: {  	[tilespmem:$0x1FDE0] =	vst v1;
	v1 =	vor.u32 $0xB0, v0  }
0x21: {  	[tilespmem:$0x1FDF0] =	vst v1;
	v1 =	vor.u32 $0x130, v0  }
0x22: {  	[tilespmem:$0x1FE00] =	vst v1;
	v1 =	vor.u32 $0x1B0, v0  }
0x23: {  	[tilespmem:$0x1FE10] =	vst v1;
	v1 =	vor.u32 $0x230, v0  }
0x24: {  	[tilespmem:$0x1FE20] =	vst v1;
	v1 =	vor.u32 $0x2B0, v0  }
0x25: {  	[tilespmem:$0x1FE30] =	vst v1;
	v1 =	vor.u32 $0x330, v0  }
0x26: {  	[tilespmem:$0x1FE40] =	vst v1;
	v1 =	vor.u32 $0x3B0, v0  }
0x27: {  	[tilespmem:$0x1FE50] =	vst v1;
	v1 =	vor.u32 $0x5030, v0  }
0x28: {  	[tilespmem:$0x1FE60] =	vst v1;
	v1 =	vor.u32 $0x50B0, v0  }
0x29: {  	[tilespmem:$0x1FE70] =	vst v1;
	v1 =	vor.u32 $0x40, v0  }
0x2a: {  	[tilespmem:$0x1FE80] =	vst v1;
	v1 =	vor.u32 $0xC0, v0  }
0x2b: {  	[tilespmem:$0x1FE90] =	vst v1;
	v1 =	vor.u32 $0x140, v0  }
0x2c: {  	s0 =	rddreg [dreg:$0x0];
	[tilespmem:$0x1FEA0] =	vst v1;
	v1 =	vor.u32 $0x1C0, v0  }
0x2d: {  	s5 =	rddreg [dreg:$0x1];
	[tilespmem:$0x1FEB0] =	vst v1;
	v1 =	vor.u32 $0x240, v0  }
0x2e: {  	s2 =	rddreg [dreg:$0x2];
	s3 =	simm.s32 $0x0;
	[tilespmem:$0x1FEC0] =	vst v1;
	v1 =	vor.u32 $0x2C0, v0  }
0x2f: {  	[smem:$0x7FF] =	sst s3;
	[tilespmem:$0x1FED0] =	vst v1;
	v1 =	vor.u32 $0x340, v0  }
0x30: {  	s1 =	rddreg [dreg:$0x3];
	_ =	strace $0x80000047;
	[tilespmem:$0x1FEE0] =	vst v1;
	v1 =	vor.u32 $0x3C0, v0  }
0x31: {  	[tilespmem:$0x1FEF0] =	vst v1;
	v1 =	vor.u32 $0x5040, v0  }
0x32: {  	[tilespmem:$0x1FF00] =	vst v1;
	v1 =	vor.u32 $0x50C0, v0  }
0x33: {  	[tilespmem:$0x1FF10] =	vst v1;
	v1 =	vor.u32 $0x50, v0  }
0x34: {  	[tilespmem:$0x1FF20] =	vst v1;
	v1 =	vor.u32 $0xD0, v0  }
0x35: {  	[tilespmem:$0x1FF30] =	vst v1;
	v1 =	vor.u32 $0x150, v0  }
0x36: {  	[tilespmem:$0x1FF40] =	vst v1;
	v1 =	vor.u32 $0x1D0, v0  }
0x37: {  	[tilespmem:$0x1FF50] =	vst v1;
	v1 =	vor.u32 $0x250, v0  }
0x38: {  	[tilespmem:$0x1FF60] =	vst v1;
	v1 =	vor.u32 $0x2D0, v0  }
0x39: {  	[tilespmem:$0x1FF70] =	vst v1;
	v1 =	vor.u32 $0x350, v0  }
0x3a: {  	[tilespmem:$0x1FF80] =	vst v1;
	v1 =	vor.u32 $0x3D0, v0  }
0x3b: {  	[tilespmem:$0x1FF90] =	vst v1;
	v1 =	vor.u32 $0x5050, v0  }
0x3c: {  	s4 =	srdreg.scid;
	s10 =	simm.s32 $0x1;
	s11 =	simm.s32 $0x400;
	[tilespmem:$0x1FFA0] =	vst v1;
	v1 =	vor.u32 $0x50D0, v0  }
0x3d: {  	s12 =	simm.s32 $0xE00;
	s13 =	simm.s32 $0x5000;
	s4 =	sand.u32 $0x1, s4;
	[tilespmem:$0x1FFB0] =	vst v1;
	v1 =	vor.u32 $0x60, v0  }
0x3e: {  	s14 =	simm.s32 $0x30D4000;
	s15 =	simm.s32 $0x0;
	s7 =	ssub.s32 $0x2, s4;
	[tilespmem:$0x1FFC0] =	vst v1;
	v1 =	vor.u32 $0xE0, v0  }
0x3f: {  	s6 =	sadd.s32 $0x400, s5;
	s5 =	stileid.u32;
	s8 =	sshrl.u32 s7, $0x1;
	[tilespmem:$0x1FFD0] =	vst v1;
	v1 =	vor.u32 $0x160, v0  }
0x40: {  	p0 =	slt.u32 s5, $0x2;
	s9 =	ssub.s32 s7, s8;
	s7 =	simm.s32 $0x4F;
	[tilespmem:$0x1FFE0] =	vst v1;
	v1 =	vor.u32 $0x1E0, v0  }
0x41: {  	s8 =	sshll.u32 s5, $0x1;
	s7 =	simm.s32 @!p0 $0x4E;
	s9 =	smax.u32 s9, $0x1;
	[tilespmem:$0x1FFF0] =	vst v1  }
.LBB2_1:
0x42: {  	[tilespmem:s3], [sflag:$0x1] =	stream.linear.gather [hbm4b:s6+s3], $0x400, $0x38;
	[tilespmem:$0xAE00] =	vst v63  }
0x43: {  	_ =	swait.ge [sflag:s10], $0x400  }
0x44: {  	[sflag:s10] =	ssyncset.done $0x0  }
0x45: {  	s16 =	simm.s32 $0x0;
	[sflag:s10] =	ssyncadd.s32 $0xFFFFFC00  }
.LBB2_2:
0x46: {  	s17 =	sshll.u32 s16, $0x5  }
0x47: {  	s17 =	sor.u32 s17, s8  }
0x48: {  	s17 =	sor.u32 s4, s17  }
0x49: {  	s18 =	smul.u32 $0xA00, s17;
	_ =	sdelay $0x1  }
0x4a: {  	s18 =	sshrl.u32 s18, $0x3  }
0x4b: {  	s19 =	sadd.s32 s0, s18;
	s18 =	simm.s32 $0x0  }
0x4c: {  	[tilespmem:s11], [sflag:$0x1] =	stream.linear.gather [hbm4b:s19+s18], $0xA00, $0x38;
	[tilespmem:$0xAE00] =	vst v63  }
0x4d: {  	_ =	swait.ge [sflag:s10], $0xA00  }
0x4e: {  	v11 =	vld [tilespmem:$0x1FC60]  }
0x4f: {  	v12 =	vld [tilespmem:$0x1FC70]  }
0x50: {  	v13 =	vld [tilespmem:$0x1FC80]  }
0x51: {  	v14 =	vld [tilespmem:$0x1FC90]  }
0x52: {  	v15 =	vld [tilespmem:$0x1FCA0]  }
0x53: {  	v16 =	vld [tilespmem:$0x1FCB0]  }
0x54: {  	v17 =	vld [tilespmem:$0x1FCC0]  }
0x55: {  	v18 =	vld [tilespmem:$0x1FCD0]  }
0x56: {  	v19 =	vld [tilespmem:$0x1FCE0]  }
0x57: {  	v20 =	vld [tilespmem:$0x1FCF0]  }
0x58: {  	v21 =	vld [tilespmem:$0x1FD00]  }
0x59: {  	v22 =	vld [tilespmem:$0x1FD10]  }
0x5a: {  	v23 =	vld [tilespmem:$0x1FD20]  }
0x5b: {  	v24 =	vld [tilespmem:$0x1FD30]  }
0x5c: {  	v25 =	vld [tilespmem:$0x1FD40]  }
0x5d: {  	v26 =	vld [tilespmem:$0x1FD50]  }
0x5e: {  	v27 =	vld [tilespmem:$0x1FD60]  }
0x5f: {  	v28 =	vld [tilespmem:$0x1FD70]  }
0x60: {  	v29 =	vld [tilespmem:$0x1FD80]  }
0x61: {  	v30 =	vld [tilespmem:$0x1FD90]  }
0x62: {  	v31 =	vld [tilespmem:$0x1FDA0]  }
0x63: {  	v32 =	vld [tilespmem:$0x1FDB0]  }
0x64: {  	v33 =	vld [tilespmem:$0x1FDC0]  }
0x65: {  	v34 =	vld [tilespmem:$0x1FDD0]  }
0x66: {  	v35 =	vld [tilespmem:$0x1FDE0]  }
0x67: {  	v36 =	vld [tilespmem:$0x1FDF0]  }
0x68: {  	v37 =	vld [tilespmem:$0x1FE00]  }
0x69: {  	v38 =	vld [tilespmem:$0x1FE10]  }
0x6a: {  	v39 =	vld [tilespmem:$0x1FE20]  }
0x6b: {  	v40 =	vld [tilespmem:$0x1FE30]  }
0x6c: {  	v41 =	vld [tilespmem:$0x1FE40]  }
0x6d: {  	v42 =	vld [tilespmem:$0x1FE50]  }
0x6e: {  	v43 =	vld [tilespmem:$0x1FE60]  }
0x6f: {  	v44 =	vld [tilespmem:$0x1FE70]  }
0x70: {  	v45 =	vld [tilespmem:$0x1FE80]  }
0x71: {  	v46 =	vld [tilespmem:$0x1FE90]  }
0x72: {  	v47 =	vld [tilespmem:$0x1FEA0]  }
0x73: {  	v48 =	vld [tilespmem:$0x1FEB0]  }
0x74: {  	v49 =	vld [tilespmem:$0x1FEC0]  }
0x75: {  	v50 =	vld [tilespmem:$0x1FED0]  }
0x76: {  	v51 =	vld [tilespmem:$0x1FEE0]  }
0x77: {  	v52 =	vld [tilespmem:$0x1FEF0]  }
0x78: {  	v53 =	vld [tilespmem:$0x1FF00]  }
0x79: {  	v54 =	vld [tilespmem:$0x1FF10]  }
0x7a: {  	v55 =	vld [tilespmem:$0x1FF20]  }
0x7b: {  	v56 =	vld [tilespmem:$0x1FF30]  }
0x7c: {  	v57 =	vld [tilespmem:$0x1FF40]  }
0x7d: {  	v58 =	vld [tilespmem:$0x1FF50]  }
0x7e: {  	v59 =	vld [tilespmem:$0x1FF60]  }
0x7f: {  	v60 =	vld [tilespmem:$0x1FF70]  }
0x80: {  	v61 =	vld [tilespmem:$0x1FF80]  }
0x81: {  	v62 =	vld [tilespmem:$0x1FF90]  }
0x82: {  	v63 =	vld [tilespmem:$0x1FFA0]  }
0x83: {  	v6 =	vld [tilespmem:$0x1FFB0]  }
0x84: {  	v7 =	vld [tilespmem:$0x1FFC0]  }
0x85: {  	v8 =	vld [tilespmem:$0x1FFD0]  }
0x86: {  	[sflag:s10] =	ssyncset.done $0x0;
	v9 =	vld [tilespmem:$0x1FFE0]  }
0x87: {  	s20 =	simm.s32 $0x440;
	s19 =	simm.s32 $0xFFFFFFF8;
	v10 =	vld [tilespmem:$0x1FFF0];
	[sflag:s10] =	ssyncadd.s32 $0xFFFFF600  }
.LBB2_3:
0x88: {  	v1 =	vld [tilespmem:s20+$0xFFFFFFC0];
	_ =	sdelay $0x4  }
0x89: {  	v2 =	vmul.u32 $0xA, v1  }
0x8a: {  	v1 =	vmov s18  }
0x8b: {  	v1 =	vshrl.u32 v1, $0x7  }
0x8c: {  	v1 =	vshll.u32 v1, $0xA  }
0x8d: {  	v1 =	vbroadcast v1, $0x0;
	_ =	sdelay $0x1  }
0x8e: {  	v4 =	vor.u32 v0, v1;
	v3 =	vld.idx.msk [tilespmem:v2+s3+$0x0], $0xffff;
	_ =	sdelay $0x4  }
0x8f: {  	v5 =	vor.u32 $0x1, v2;
	[tilespmem:v4+s12+$0x0] =	vst.idx.msk $0xffff, v3;
	v4 =	vld [tilespmem:$0x1FC10];
	_ =	sdelay $0x4  }
0x90: {  	v3 =	vld.idx.msk [tilespmem:v5+s3+$0x0], $0xffff;
	v4 =	vor.u32 v4, v1;
	_ =	sdelay $0x4  }
0x91: {  	v5 =	vadd.s32 $0x2, v2;
	[tilespmem:v4+s12+$0x0] =	vst.idx.msk $0xffff, v3;
	v4 =	vld [tilespmem:$0x1FC20];
	_ =	sdelay $0x4  }
0x92: {  	v3 =	vld.idx.msk [tilespmem:v5+s3+$0x0], $0xffff;
	v4 =	vor.u32 v4, v1;
	_ =	sdelay $0x4  }
0x93: {  	v5 =	vadd.s32 $0x3, v2;
	[tilespmem:v4+s12+$0x0] =	vst.idx.msk $0xffff, v3;
	v4 =	vld [tilespmem:$0x1FC30];
	_ =	sdelay $0x4  }
0x94: {  	v3 =	vld.idx.msk [tilespmem:v5+s3+$0x0], $0xffff;
	v4 =	vor.u32 v4, v1;
	_ =	sdelay $0x4  }
0x95: {  	v5 =	vadd.s32 $0x4, v2;
	[tilespmem:v4+s12+$0x0] =	vst.idx.msk $0xffff, v3;
	v4 =	vld [tilespmem:$0x1FC40];
	_ =	sdelay $0x4  }
0x96: {  	v3 =	vld.idx.msk [tilespmem:v5+s3+$0x0], $0xffff;
	v4 =	vor.u32 v4, v1;
	_ =	sdelay $0x4  }
0x97: {  	v5 =	vadd.s32 $0x5, v2;
	[tilespmem:v4+s12+$0x0] =	vst.idx.msk $0xffff, v3;
	v4 =	vld [tilespmem:$0x1FC50];
	_ =	sdelay $0x4  }
0x98: {  	v3 =	vld.idx.msk [tilespmem:v5+s3+$0x0], $0xffff;
	v4 =	vor.u32 v4, v1  }
0x99: {  	v5 =	vadd.s32 $0x6, v2;
	_ =	sdelay $0x3  }
0x9a: {  	[tilespmem:v4+s12+$0x0] =	vst.idx.msk $0xffff, v3  }
0x9b: {  	v4 =	vor.u32 v11, v1;
	v3 =	vld.idx.msk [tilespmem:v5+s3+$0x0], $0xffff  }
0x9c: {  	v5 =	vadd.s32 $0x7, v2;
	_ =	sdelay $0x3  }
0x9d: {  	[tilespmem:v4+s12+$0x0] =	vst.idx.msk $0xffff, v3  }
0x9e: {  	v4 =	vor.u32 v12, v1;
	v3 =	vld.idx.msk [tilespmem:v5+s3+$0x0], $0xffff  }
0x9f: {  	v5 =	vadd.s32 $0x8, v2;
	_ =	sdelay $0x3  }
0xa0: {  	[tilespmem:v4+s12+$0x0] =	vst.idx.msk $0xffff, v3  }
0xa1: {  	v4 =	vadd.s32 v13, v1;
	v3 =	vld.idx.msk [tilespmem:v5+s3+$0x0], $0xffff  }
0xa2: {  	v2 =	vadd.s32 $0x9, v2;
	_ =	sdelay $0x3  }
0xa3: {  	[tilespmem:v4+s12+$0x0] =	vst.idx.msk $0xffff, v3  }
0xa4: {  	v3 =	vadd.s32 v14, v1;
	v2 =	vld.idx.msk [tilespmem:v2+s3+$0x0], $0xffff;
	_ =	sdelay $0x4  }
0xa5: {  	[tilespmem:v3+s12+$0x0] =	vst.idx.msk $0xffff, v2  }
0xa6: {  	v2 =	vld [tilespmem:s20+$0xFFFFFFD0];
	_ =	sdelay $0x4  }
0xa7: {  	v2 =	vmul.u32 $0xA, v2;
	_ =	sdelay $0x5  }
0xa8: {  	v4 =	vor.u32 v15, v1;
	v3 =	vld.idx.msk [tilespmem:v2+s3+$0x0], $0xffff  }
0xa9: {  	v5 =	vor.u32 $0x1, v2;
	_ =	sdelay $0x3  }
0xaa: {  	[tilespmem:v4+s12+$0x0] =	vst.idx.msk $0xffff, v3  }
0xab: {  	v4 =	vor.u32 v16, v1;
	v3 =	vld.idx.msk [tilespmem:v5+s3+$0x0], $0xffff  }
0xac: {  	v5 =	vadd.s32 $0x2, v2;
	_ =	sdelay $0x3  }
0xad: {  	[tilespmem:v4+s12+$0x0] =	vst.idx.msk $0xffff, v3  }
0xae: {  	v4 =	vor.u32 v17, v1;
	v3 =	vld.idx.msk [tilespmem:v5+s3+$0x0], $0xffff  }
0xaf: {  	v5 =	vadd.s32 $0x3, v2;
	_ =	sdelay $0x3  }
0xb0: {  	[tilespmem:v4+s12+$0x0] =	vst.idx.msk $0xffff, v3  }
0xb1: {  	v4 =	vor.u32 v18, v1;
	v3 =	vld.idx.msk [tilespmem:v5+s3+$0x0], $0xffff  }
0xb2: {  	v5 =	vadd.s32 $0x4, v2;
	_ =	sdelay $0x3  }
0xb3: {  	[tilespmem:v4+s12+$0x0] =	vst.idx.msk $0xffff, v3  }
0xb4: {  	v4 =	vor.u32 v19, v1;
	v3 =	vld.idx.msk [tilespmem:v5+s3+$0x0], $0xffff  }
0xb5: {  	v5 =	vadd.s32 $0x5, v2;
	_ =	sdelay $0x3  }
0xb6: {  	[tilespmem:v4+s12+$0x0] =	vst.idx.msk $0xffff, v3  }
0xb7: {  	v4 =	vor.u32 v20, v1;
	v3 =	vld.idx.msk [tilespmem:v5+s3+$0x0], $0xffff  }
0xb8: {  	v5 =	vadd.s32 $0x6, v2;
	_ =	sdelay $0x3  }
0xb9: {  	[tilespmem:v4+s12+$0x0] =	vst.idx.msk $0xffff, v3  }
0xba: {  	v4 =	vor.u32 v21, v1;
	v3 =	vld.idx.msk [tilespmem:v5+s3+$0x0], $0xffff  }
0xbb: {  	v5 =	vadd.s32 $0x7, v2;
	_ =	sdelay $0x3  }
0xbc: {  	[tilespmem:v4+s12+$0x0] =	vst.idx.msk $0xffff, v3  }
0xbd: {  	v4 =	vor.u32 v22, v1;
	v3 =	vld.idx.msk [tilespmem:v5+s3+$0x0], $0xffff  }
0xbe: {  	v5 =	vadd.s32 $0x8, v2;
	_ =	sdelay $0x3  }
0xbf: {  	[tilespmem:v4+s12+$0x0] =	vst.idx.msk $0xffff, v3  }
0xc0: {  	v4 =	vadd.s32 v23, v1;
	v3 =	vld.idx.msk [tilespmem:v5+s3+$0x0], $0xffff  }
0xc1: {  	v2 =	vadd.s32 $0x9, v2;
	_ =	sdelay $0x3  }
0xc2: {  	[tilespmem:v4+s12+$0x0] =	vst.idx.msk $0xffff, v3  }
0xc3: {  	v3 =	vadd.s32 v24, v1;
	v2 =	vld.idx.msk [tilespmem:v2+s3+$0x0], $0xffff;
	_ =	sdelay $0x4  }
0xc4: {  	[tilespmem:v3+s12+$0x0] =	vst.idx.msk $0xffff, v2  }
0xc5: {  	v2 =	vld [tilespmem:s20+$0xFFFFFFE0];
	_ =	sdelay $0x4  }
0xc6: {  	v2 =	vmul.u32 $0xA, v2;
	_ =	sdelay $0x5  }
0xc7: {  	v4 =	vor.u32 v25, v1;
	v3 =	vld.idx.msk [tilespmem:v2+s3+$0x0], $0xffff  }
0xc8: {  	v5 =	vor.u32 $0x1, v2;
	_ =	sdelay $0x3  }
0xc9: {  	[tilespmem:v4+s12+$0x0] =	vst.idx.msk $0xffff, v3  }
0xca: {  	v4 =	vor.u32 v26, v1;
	v3 =	vld.idx.msk [tilespmem:v5+s3+$0x0], $0xffff  }
0xcb: {  	v5 =	vadd.s32 $0x2, v2;
	_ =	sdelay $0x3  }
0xcc: {  	[tilespmem:v4+s12+$0x0] =	vst.idx.msk $0xffff, v3  }
0xcd: {  	v4 =	vor.u32 v27, v1;
	v3 =	vld.idx.msk [tilespmem:v5+s3+$0x0], $0xffff  }
0xce: {  	v5 =	vadd.s32 $0x3, v2;
	_ =	sdelay $0x3  }
0xcf: {  	[tilespmem:v4+s12+$0x0] =	vst.idx.msk $0xffff, v3  }
0xd0: {  	v4 =	vor.u32 v28, v1;
	v3 =	vld.idx.msk [tilespmem:v5+s3+$0x0], $0xffff  }
0xd1: {  	v5 =	vadd.s32 $0x4, v2;
	_ =	sdelay $0x3  }
0xd2: {  	[tilespmem:v4+s12+$0x0] =	vst.idx.msk $0xffff, v3  }
0xd3: {  	v4 =	vor.u32 v29, v1;
	v3 =	vld.idx.msk [tilespmem:v5+s3+$0x0], $0xffff  }
0xd4: {  	v5 =	vadd.s32 $0x5, v2;
	_ =	sdelay $0x3  }
0xd5: {  	[tilespmem:v4+s12+$0x0] =	vst.idx.msk $0xffff, v3  }
0xd6: {  	v4 =	vor.u32 v30, v1;
	v3 =	vld.idx.msk [tilespmem:v5+s3+$0x0], $0xffff  }
0xd7: {  	v5 =	vadd.s32 $0x6, v2;
	_ =	sdelay $0x3  }
0xd8: {  	[tilespmem:v4+s12+$0x0] =	vst.idx.msk $0xffff, v3  }
0xd9: {  	v4 =	vor.u32 v31, v1;
	v3 =	vld.idx.msk [tilespmem:v5+s3+$0x0], $0xffff  }
0xda: {  	v5 =	vadd.s32 $0x7, v2;
	_ =	sdelay $0x3  }
0xdb: {  	[tilespmem:v4+s12+$0x0] =	vst.idx.msk $0xffff, v3  }
0xdc: {  	v4 =	vor.u32 v32, v1;
	v3 =	vld.idx.msk [tilespmem:v5+s3+$0x0], $0xffff  }
0xdd: {  	v5 =	vadd.s32 $0x8, v2;
	_ =	sdelay $0x3  }
0xde: {  	[tilespmem:v4+s12+$0x0] =	vst.idx.msk $0xffff, v3  }
0xdf: {  	v4 =	vadd.s32 v33, v1;
	v3 =	vld.idx.msk [tilespmem:v5+s3+$0x0], $0xffff  }
0xe0: {  	v2 =	vadd.s32 $0x9, v2;
	_ =	sdelay $0x3  }
0xe1: {  	[tilespmem:v4+s12+$0x0] =	vst.idx.msk $0xffff, v3  }
0xe2: {  	v3 =	vadd.s32 v34, v1;
	v2 =	vld.idx.msk [tilespmem:v2+s3+$0x0], $0xffff;
	_ =	sdelay $0x4  }
0xe3: {  	[tilespmem:v3+s12+$0x0] =	vst.idx.msk $0xffff, v2  }
0xe4: {  	v2 =	vld [tilespmem:s20+$0xFFFFFFF0];
	_ =	sdelay $0x4  }
0xe5: {  	v2 =	vmul.u32 $0xA, v2;
	_ =	sdelay $0x5  }
0xe6: {  	v4 =	vor.u32 v35, v1;
	v3 =	vld.idx.msk [tilespmem:v2+s3+$0x0], $0xffff  }
0xe7: {  	v5 =	vor.u32 $0x1, v2;
	_ =	sdelay $0x3  }
0xe8: {  	[tilespmem:v4+s12+$0x0] =	vst.idx.msk $0xffff, v3  }
0xe9: {  	v4 =	vor.u32 v36, v1;
	v3 =	vld.idx.msk [tilespmem:v5+s3+$0x0], $0xffff  }
0xea: {  	v5 =	vadd.s32 $0x2, v2;
	_ =	sdelay $0x3  }
0xeb: {  	[tilespmem:v4+s12+$0x0] =	vst.idx.msk $0xffff, v3  }
0xec: {  	v4 =	vor.u32 v37, v1;
	v3 =	vld.idx.msk [tilespmem:v5+s3+$0x0], $0xffff  }
0xed: {  	v5 =	vadd.s32 $0x3, v2;
	_ =	sdelay $0x3  }
0xee: {  	[tilespmem:v4+s12+$0x0] =	vst.idx.msk $0xffff, v3  }
0xef: {  	v4 =	vor.u32 v38, v1;
	v3 =	vld.idx.msk [tilespmem:v5+s3+$0x0], $0xffff  }
0xf0: {  	v5 =	vadd.s32 $0x4, v2;
	_ =	sdelay $0x3  }
0xf1: {  	[tilespmem:v4+s12+$0x0] =	vst.idx.msk $0xffff, v3  }
0xf2: {  	v4 =	vor.u32 v39, v1;
	v3 =	vld.idx.msk [tilespmem:v5+s3+$0x0], $0xffff  }
0xf3: {  	v5 =	vadd.s32 $0x5, v2;
	_ =	sdelay $0x3  }
0xf4: {  	[tilespmem:v4+s12+$0x0] =	vst.idx.msk $0xffff, v3  }
0xf5: {  	v4 =	vor.u32 v40, v1;
	v3 =	vld.idx.msk [tilespmem:v5+s3+$0x0], $0xffff  }
0xf6: {  	v5 =	vadd.s32 $0x6, v2;
	_ =	sdelay $0x3  }
0xf7: {  	[tilespmem:v4+s12+$0x0] =	vst.idx.msk $0xffff, v3  }
0xf8: {  	v4 =	vor.u32 v41, v1;
	v3 =	vld.idx.msk [tilespmem:v5+s3+$0x0], $0xffff  }
0xf9: {  	v5 =	vadd.s32 $0x7, v2;
	_ =	sdelay $0x3  }
0xfa: {  	[tilespmem:v4+s12+$0x0] =	vst.idx.msk $0xffff, v3  }
0xfb: {  	v4 =	vor.u32 v42, v1;
	v3 =	vld.idx.msk [tilespmem:v5+s3+$0x0], $0xffff  }
0xfc: {  	v5 =	vadd.s32 $0x8, v2;
	_ =	sdelay $0x3  }
0xfd: {  	[tilespmem:v4+s12+$0x0] =	vst.idx.msk $0xffff, v3  }
0xfe: {  	v4 =	vadd.s32 v43, v1;
	v3 =	vld.idx.msk [tilespmem:v5+s3+$0x0], $0xffff  }
0xff: {  	v2 =	vadd.s32 $0x9, v2;
	_ =	sdelay $0x3  }
0x100: {  	[tilespmem:v4+s12+$0x0] =	vst.idx.msk $0xffff, v3  }
0x101: {  	v3 =	vadd.s32 v44, v1;
	v2 =	vld.idx.msk [tilespmem:v2+s3+$0x0], $0xffff;
	_ =	sdelay $0x4  }
0x102: {  	[tilespmem:v3+s12+$0x0] =	vst.idx.msk $0xffff, v2  }
0x103: {  	v2 =	vld [tilespmem:s20+$0x0];
	_ =	sdelay $0x4  }
0x104: {  	v2 =	vmul.u32 $0xA, v2;
	_ =	sdelay $0x5  }
0x105: {  	v4 =	vor.u32 v45, v1;
	v3 =	vld.idx.msk [tilespmem:v2+s3+$0x0], $0xffff  }
0x106: {  	v5 =	vor.u32 $0x1, v2;
	_ =	sdelay $0x3  }
0x107: {  	[tilespmem:v4+s12+$0x0] =	vst.idx.msk $0xffff, v3  }
0x108: {  	v4 =	vor.u32 v46, v1;
	v3 =	vld.idx.msk [tilespmem:v5+s3+$0x0], $0xffff  }
0x109: {  	v5 =	vadd.s32 $0x2, v2;
	_ =	sdelay $0x3  }
0x10a: {  	[tilespmem:v4+s12+$0x0] =	vst.idx.msk $0xffff, v3  }
0x10b: {  	v4 =	vor.u32 v47, v1;
	v3 =	vld.idx.msk [tilespmem:v5+s3+$0x0], $0xffff  }
0x10c: {  	v5 =	vadd.s32 $0x3, v2;
	_ =	sdelay $0x3  }
0x10d: {  	[tilespmem:v4+s12+$0x0] =	vst.idx.msk $0xffff, v3  }
0x10e: {  	v4 =	vor.u32 v48, v1;
	v3 =	vld.idx.msk [tilespmem:v5+s3+$0x0], $0xffff  }
0x10f: {  	v5 =	vadd.s32 $0x4, v2;
	_ =	sdelay $0x3  }
0x110: {  	[tilespmem:v4+s12+$0x0] =	vst.idx.msk $0xffff, v3  }
0x111: {  	v4 =	vor.u32 v49, v1;
	v3 =	vld.idx.msk [tilespmem:v5+s3+$0x0], $0xffff  }
0x112: {  	v5 =	vadd.s32 $0x5, v2;
	_ =	sdelay $0x3  }
0x113: {  	[tilespmem:v4+s12+$0x0] =	vst.idx.msk $0xffff, v3  }
0x114: {  	v4 =	vor.u32 v50, v1;
	v3 =	vld.idx.msk [tilespmem:v5+s3+$0x0], $0xffff  }
0x115: {  	v5 =	vadd.s32 $0x6, v2;
	_ =	sdelay $0x3  }
0x116: {  	[tilespmem:v4+s12+$0x0] =	vst.idx.msk $0xffff, v3  }
0x117: {  	v4 =	vor.u32 v51, v1;
	v3 =	vld.idx.msk [tilespmem:v5+s3+$0x0], $0xffff  }
0x118: {  	v5 =	vadd.s32 $0x7, v2;
	_ =	sdelay $0x3  }
0x119: {  	[tilespmem:v4+s12+$0x0] =	vst.idx.msk $0xffff, v3  }
0x11a: {  	v4 =	vor.u32 v52, v1;
	v3 =	vld.idx.msk [tilespmem:v5+s3+$0x0], $0xffff  }
0x11b: {  	v5 =	vadd.s32 $0x8, v2;
	_ =	sdelay $0x3  }
0x11c: {  	[tilespmem:v4+s12+$0x0] =	vst.idx.msk $0xffff, v3  }
0x11d: {  	v4 =	vadd.s32 v53, v1;
	v3 =	vld.idx.msk [tilespmem:v5+s3+$0x0], $0xffff  }
0x11e: {  	v2 =	vadd.s32 $0x9, v2;
	_ =	sdelay $0x3  }
0x11f: {  	[tilespmem:v4+s12+$0x0] =	vst.idx.msk $0xffff, v3  }
0x120: {  	v3 =	vadd.s32 v54, v1;
	v2 =	vld.idx.msk [tilespmem:v2+s3+$0x0], $0xffff;
	_ =	sdelay $0x4  }
0x121: {  	[tilespmem:v3+s12+$0x0] =	vst.idx.msk $0xffff, v2  }
0x122: {  	v2 =	vld [tilespmem:s20+$0x10];
	_ =	sdelay $0x4  }
0x123: {  	v2 =	vmul.u32 $0xA, v2;
	_ =	sdelay $0x5  }
0x124: {  	v4 =	vor.u32 v55, v1;
	v3 =	vld.idx.msk [tilespmem:v2+s3+$0x0], $0xffff  }
0x125: {  	v5 =	vor.u32 $0x1, v2;
	_ =	sdelay $0x3  }
0x126: {  	[tilespmem:v4+s12+$0x0] =	vst.idx.msk $0xffff, v3  }
0x127: {  	v4 =	vor.u32 v56, v1;
	v3 =	vld.idx.msk [tilespmem:v5+s3+$0x0], $0xffff  }
0x128: {  	v5 =	vadd.s32 $0x2, v2;
	_ =	sdelay $0x3  }
0x129: {  	[tilespmem:v4+s12+$0x0] =	vst.idx.msk $0xffff, v3  }
0x12a: {  	v4 =	vor.u32 v57, v1;
	v3 =	vld.idx.msk [tilespmem:v5+s3+$0x0], $0xffff  }
0x12b: {  	v5 =	vadd.s32 $0x3, v2;
	_ =	sdelay $0x3  }
0x12c: {  	[tilespmem:v4+s12+$0x0] =	vst.idx.msk $0xffff, v3  }
0x12d: {  	v4 =	vor.u32 v58, v1;
	v3 =	vld.idx.msk [tilespmem:v5+s3+$0x0], $0xffff  }
0x12e: {  	v5 =	vadd.s32 $0x4, v2;
	_ =	sdelay $0x3  }
0x12f: {  	[tilespmem:v4+s12+$0x0] =	vst.idx.msk $0xffff, v3  }
0x130: {  	v4 =	vor.u32 v59, v1;
	v3 =	vld.idx.msk [tilespmem:v5+s3+$0x0], $0xffff  }
0x131: {  	v5 =	vadd.s32 $0x5, v2;
	_ =	sdelay $0x3  }
0x132: {  	[tilespmem:v4+s12+$0x0] =	vst.idx.msk $0xffff, v3  }
0x133: {  	v4 =	vor.u32 v60, v1;
	v3 =	vld.idx.msk [tilespmem:v5+s3+$0x0], $0xffff  }
0x134: {  	v5 =	vadd.s32 $0x6, v2;
	_ =	sdelay $0x3  }
0x135: {  	[tilespmem:v4+s12+$0x0] =	vst.idx.msk $0xffff, v3  }
0x136: {  	v4 =	vor.u32 v61, v1;
	v3 =	vld.idx.msk [tilespmem:v5+s3+$0x0], $0xffff  }
0x137: {  	v5 =	vadd.s32 $0x7, v2;
	_ =	sdelay $0x3  }
0x138: {  	[tilespmem:v4+s12+$0x0] =	vst.idx.msk $0xffff, v3  }
0x139: {  	v4 =	vor.u32 v62, v1;
	v3 =	vld.idx.msk [tilespmem:v5+s3+$0x0], $0xffff  }
0x13a: {  	v5 =	vadd.s32 $0x8, v2;
	_ =	sdelay $0x3  }
0x13b: {  	[tilespmem:v4+s12+$0x0] =	vst.idx.msk $0xffff, v3  }
0x13c: {  	v4 =	vadd.s32 v63, v1;
	v3 =	vld.idx.msk [tilespmem:v5+s3+$0x0], $0xffff  }
0x13d: {  	v2 =	vadd.s32 $0x9, v2;
	_ =	sdelay $0x3  }
0x13e: {  	[tilespmem:v4+s12+$0x0] =	vst.idx.msk $0xffff, v3  }
0x13f: {  	v3 =	vadd.s32 v6, v1;
	v2 =	vld.idx.msk [tilespmem:v2+s3+$0x0], $0xffff;
	_ =	sdelay $0x4  }
0x140: {  	[tilespmem:v3+s12+$0x0] =	vst.idx.msk $0xffff, v2  }
0x141: {  	v2 =	vld [tilespmem:s20+$0x20];
	_ =	sdelay $0x4  }
0x142: {  	v2 =	vmul.u32 $0xA, v2;
	_ =	sdelay $0x5  }
0x143: {  	v4 =	vor.u32 v7, v1;
	v3 =	vld.idx.msk [tilespmem:v2+s3+$0x0], $0xffff  }
0x144: {  	v5 =	vor.u32 $0x1, v2;
	_ =	sdelay $0x3  }
0x145: {  	[tilespmem:v4+s12+$0x0] =	vst.idx.msk $0xffff, v3  }
0x146: {  	v4 =	vor.u32 v8, v1;
	v3 =	vld.idx.msk [tilespmem:v5+s3+$0x0], $0xffff  }
0x147: {  	v5 =	vadd.s32 $0x2, v2;
	_ =	sdelay $0x3  }
0x148: {  	[tilespmem:v4+s12+$0x0] =	vst.idx.msk $0xffff, v3  }
0x149: {  	v4 =	vor.u32 v9, v1;
	v3 =	vld.idx.msk [tilespmem:v5+s3+$0x0], $0xffff  }
0x14a: {  	v5 =	vadd.s32 $0x3, v2;
	_ =	sdelay $0x3  }
0x14b: {  	[tilespmem:v4+s12+$0x0] =	vst.idx.msk $0xffff, v3  }
0x14c: {  	v4 =	vor.u32 v10, v1;
	v3 =	vld.idx.msk [tilespmem:v5+s3+$0x0], $0xffff  }
0x14d: {  	v5 =	vadd.s32 $0x4, v2;
	_ =	sdelay $0x3  }
0x14e: {  	[tilespmem:v4+s12+$0x0] =	vst.idx.msk $0xffff, v3;
	v3 =	vor.u32 $0x260, v0  }
0x14f: {  	v4 =	vld.idx.msk [tilespmem:v5+s3+$0x0], $0xffff;
	v3 =	vor.u32 v3, v1  }
0x150: {  	v5 =	vadd.s32 $0x5, v2;
	_ =	sdelay $0x3  }
0x151: {  	[tilespmem:v3+s12+$0x0] =	vst.idx.msk $0xffff, v4;
	v3 =	vor.u32 $0x2E0, v0  }
0x152: {  	v4 =	vld.idx.msk [tilespmem:v5+s3+$0x0], $0xffff;
	v3 =	vor.u32 v3, v1  }
0x153: {  	v5 =	vadd.s32 $0x6, v2;
	_ =	sdelay $0x3  }
0x154: {  	[tilespmem:v3+s12+$0x0] =	vst.idx.msk $0xffff, v4;
	v3 =	vor.u32 $0x360, v0  }
0x155: {  	v4 =	vld.idx.msk [tilespmem:v5+s3+$0x0], $0xffff;
	v3 =	vor.u32 v3, v1  }
0x156: {  	v5 =	vadd.s32 $0x7, v2;
	_ =	sdelay $0x3  }
0x157: {  	[tilespmem:v3+s12+$0x0] =	vst.idx.msk $0xffff, v4;
	v3 =	vor.u32 $0x3E0, v0  }
0x158: {  	v4 =	vld.idx.msk [tilespmem:v5+s3+$0x0], $0xffff;
	v3 =	vor.u32 v3, v1  }
0x159: {  	v5 =	vadd.s32 $0x8, v2;
	_ =	sdelay $0x3  }
0x15a: {  	[tilespmem:v3+s12+$0x0] =	vst.idx.msk $0xffff, v4;
	v3 =	vor.u32 $0x5060, v0  }
0x15b: {  	v4 =	vld.idx.msk [tilespmem:v5+s3+$0x0], $0xffff;
	v3 =	vadd.s32 v3, v1  }
0x15c: {  	v2 =	vadd.s32 $0x9, v2;
	_ =	sdelay $0x3  }
0x15d: {  	[tilespmem:v3+s12+$0x0] =	vst.idx.msk $0xffff, v4;
	v3 =	vor.u32 $0x50E0, v0  }
0x15e: {  	v2 =	vld.idx.msk [tilespmem:v2+s3+$0x0], $0xffff;
	v3 =	vadd.s32 v3, v1;
	_ =	sdelay $0x4  }
0x15f: {  	[tilespmem:v3+s12+$0x0] =	vst.idx.msk $0xffff, v2  }
0x160: {  	v2 =	vld [tilespmem:s20+$0x30];
	_ =	sdelay $0x4  }
0x161: {  	v2 =	vmul.u32 $0xA, v2;
	_ =	sdelay $0x4  }
0x162: {  	v3 =	vor.u32 $0x70, v0  }
0x163: {  	v3 =	vor.u32 v3, v1;
	v4 =	vld.idx.msk [tilespmem:v2+s3+$0x0], $0xffff  }
0x164: {  	v5 =	vor.u32 $0x1, v2;
	_ =	sdelay $0x3  }
0x165: {  	[tilespmem:v3+s12+$0x0] =	vst.idx.msk $0xffff, v4;
	v3 =	vor.u32 $0xF0, v0  }
0x166: {  	v4 =	vld.idx.msk [tilespmem:v5+s3+$0x0], $0xffff;
	v3 =	vor.u32 v3, v1  }
0x167: {  	v5 =	vadd.s32 $0x2, v2;
	_ =	sdelay $0x3  }
0x168: {  	[tilespmem:v3+s12+$0x0] =	vst.idx.msk $0xffff, v4;
	v3 =	vor.u32 $0x170, v0  }
0x169: {  	v4 =	vld.idx.msk [tilespmem:v5+s3+$0x0], $0xffff;
	v3 =	vor.u32 v3, v1  }
0x16a: {  	v5 =	vadd.s32 $0x3, v2;
	_ =	sdelay $0x3  }
0x16b: {  	[tilespmem:v3+s12+$0x0] =	vst.idx.msk $0xffff, v4;
	v3 =	vor.u32 $0x1F0, v0  }
0x16c: {  	v4 =	vld.idx.msk [tilespmem:v5+s3+$0x0], $0xffff;
	v3 =	vor.u32 v3, v1  }
0x16d: {  	v5 =	vadd.s32 $0x4, v2;
	_ =	sdelay $0x3  }
0x16e: {  	[tilespmem:v3+s12+$0x0] =	vst.idx.msk $0xffff, v4;
	v3 =	vor.u32 $0x270, v0  }
0x16f: {  	v4 =	vld.idx.msk [tilespmem:v5+s3+$0x0], $0xffff;
	v3 =	vor.u32 v3, v1  }
0x170: {  	v5 =	vadd.s32 $0x5, v2;
	_ =	sdelay $0x3  }
0x171: {  	[tilespmem:v3+s12+$0x0] =	vst.idx.msk $0xffff, v4;
	v3 =	vor.u32 $0x2F0, v0  }
0x172: {  	v4 =	vld.idx.msk [tilespmem:v5+s3+$0x0], $0xffff;
	v3 =	vor.u32 v3, v1  }
0x173: {  	v5 =	vadd.s32 $0x6, v2;
	_ =	sdelay $0x3  }
0x174: {  	[tilespmem:v3+s12+$0x0] =	vst.idx.msk $0xffff, v4;
	v3 =	vor.u32 $0x370, v0  }
0x175: {  	v4 =	vld.idx.msk [tilespmem:v5+s3+$0x0], $0xffff;
	v3 =	vor.u32 v3, v1  }
0x176: {  	v5 =	vadd.s32 $0x7, v2;
	_ =	sdelay $0x3  }
0x177: {  	[tilespmem:v3+s12+$0x0] =	vst.idx.msk $0xffff, v4;
	v3 =	vor.u32 $0x3F0, v0  }
0x178: {  	v4 =	vld.idx.msk [tilespmem:v5+s3+$0x0], $0xffff;
	v3 =	vor.u32 v3, v1  }
0x179: {  	v5 =	vadd.s32 $0x8, v2;
	_ =	sdelay $0x3  }
0x17a: {  	[tilespmem:v3+s12+$0x0] =	vst.idx.msk $0xffff, v4;
	v3 =	vor.u32 $0x5070, v0  }
0x17b: {  	v4 =	vld.idx.msk [tilespmem:v5+s3+$0x0], $0xffff;
	v3 =	vadd.s32 v3, v1  }
0x17c: {  	v2 =	vadd.s32 $0x9, v2;
	_ =	sdelay $0x3  }
0x17d: {  	s19 =	sadd.s32 $0x8, s19;
	[tilespmem:v3+s12+$0x0] =	vst.idx.msk $0xffff, v4;
	v3 =	vor.u32 $0x50F0, v0  }
0x17e: {  	p0 =	slt.u32 s19, $0x98;
	v1 =	vadd.s32 v3, v1;
	v2 =	vld.idx.msk [tilespmem:v2+s3+$0x0], $0xffff  }
.Ltmp0:
0x17f: {  	_ = 	snop;
	(pc) =	sbr.rel @p0 .LBB2_3-.Ltmp0, $2  }
0x180: {  	_ =	sdelay $0x2  }
0x181: {  	s18 =	sadd.s32 $0x80, s18;
	s20 =	sadd.s32 $0x80, s20;
	[tilespmem:v1+s12+$0x0] =	vst.idx.msk $0xffff, v2  }
0x182: {  	s17 =	smul.u32 $0x5000, s17  }
0x183: {  	s16 =	sadd.s32 $0x1, s16  }
0x184: {  	p0 =	sne.s32 s16, s7;
	s17 =	sshrl.u32 s17, $0x3  }
.Ltmp1:
0x185: {  	s17 =	sadd.s32 s2, s17;
	(pc) =	sbr.rel @p0 .LBB2_2-.Ltmp1, $4  }
0x186: {  	[hbm4b:s17+s13] =	stream.strided.scatter [tilespmem:s12], [sflag:$0x1], $0xA000, s14, s13, $0x38;
	[tilespmem:$0xAE00] =	vst v63  }
0x187: {  	_ =	swait.ge [sflag:s10], $0xA000  }
0x188: {  	[sflag:s10] =	ssyncset.done $0x0  }
0x189: {  	[sflag:s10] =	ssyncadd.s32 $0xFFFF6000  }
0x18a: {  	s15 =	sadd.s32 $0x1, s15  }
0x18b: {  	p0 =	sne.s32 s15, s9  }
.Ltmp2:
0x18c: {  	_ = 	snop;
	(pc) =	sbr.rel @p0 .LBB2_1-.Ltmp2, $1  }
0x18d: {  	_ =	sdelay $0x3  }
0x18e: {  	_ =	sfence.sel $0x180000  }
0x18f: {  	[bflag:$0x0] =	sbarrier.arrive $0xFFFF  }
0x190: {  	p0 =	sne.s32 s5, $0x0;
	_ =	strace $0x90000047  }
0x191: {  	s0 =	sadd.s32 @!p0 $0x100000, s1;
	[bflag:$0x2] =	sbarrier.arrive $0xFFFF  }
0x192: {  	[sflag:s0] =	ssyncadd.tile.s32 @!p0 $0x1;
	_ =	shalt  }
.Lfunc_end2:
_tile_overlayer_lowered:
.L_overlay_start_2:
0x193: {  	(tag) =	ssettag $0x2  }
0x194: {  	s0 =	rddreg [dreg:$0x0];
	s2 =	stileid.u32  }
0x195: {  	s1 =	rddreg [dreg:$0x1];
	p0 =	sne.s32 s2, $0x0  }
0x196: {  	s3 =	rddreg [dreg:$0x2];
	[bflag:$0x3] =	sbarrier.arrive $0xFFFF;
	s2 =	simm.s32 @!p0 $0x1C01  }
0x197: {  	[timem:s3], [sflag:s2] =	dma.local @!p0 [hbm:s0], s1  }
0x198: {  	s0 =	simm.s32 @!p0 $0x1  }
0x199: {  	_ =	swait.ge @!p0 [sflag:s0], s1  }
0x19a: {  	s1 =	ssub.s32 @!p0 $0x0, s1;
	[sflag:s0] =	ssyncset.done @!p0 $0x0  }
0x19b: {  	[sflag:s0] =	ssyncadd.s32 @!p0 s1  }
0x19c: {  	[bflag:$0x3] =	sbarrier.arrive $0xFFFF  }
0x19d: {  	_ =	shalt  }

</sc_bundles>
